<compile_context>
chip_gen: v7x
topology: tpu7x:2x2x1
jax: 0.10.2.dev20260603
libtpu: 0.0.44.dev20260713+nightly
codegen_flags: <defaults>
</compile_context>

<pallas_src>
import functools

import jax
import jax.numpy as jnp
from jax import lax
from jax.experimental import pallas as pl
from jax.experimental.pallas import tpu as pltpu, tpu_sc as plsc

N_NODES = 10000
N_EDGES = 320000
D_FEAT = 128

_NC = 2
_NS = 16
_LANES = 16

_EPT = N_EDGES // _NS
_K = 80
_NBH = 125
_HALF = _NBH * _K
_N_PAD = 10112
_ROWS_PER_TILE = _N_PAD // _NS

_mesh = plsc.VectorSubcoreMesh(core_axis_name="c", subcore_axis_name="s")


def _fill_2d(ref, nrows, ncols, val):
    v = jnp.full((_LANES,), val, jnp.float32)

    def row(i, _):
        for j in range(ncols // _LANES):
            ref[i, pl.ds(j * _LANES, _LANES)] = v
        return 0

    lax.fori_loop(0, nrows, row, 0)


@functools.partial(
    pl.kernel,
    out_type=(
        jax.ShapeDtypeStruct((_N_PAD, D_FEAT), jnp.float32),
        jax.ShapeDtypeStruct((_N_PAD, D_FEAT), jnp.float32),
    ),
    mesh=_mesh,
    scratch_types=(
        pltpu.VMEM((_HALF,), jnp.int32),
        pltpu.VMEM((_NBH, _K), jnp.int32),
        pltpu.VMEM((_K, D_FEAT), jnp.float32),
        pltpu.VMEM((_K, D_FEAT), jnp.float32),
        pltpu.VMEM_SHARED((_N_PAD, D_FEAT), jnp.float32),
        pltpu.SemaphoreType.DMA,
        pltpu.SemaphoreType.DMA,
        pltpu.SemaphoreType.DMA,
        pltpu.SemaphoreType.DMA,
    ),
)
def _phase1(feat_hbm, nidx_hbm, seg_hbm, sums_out, cnts_out,
            idx_v, seg_v, rows0, rows1, acc, gs0, gs1, ss0, ss1):
    cid = lax.axis_index("c")
    sid = lax.axis_index("s")
    r0 = sid * _ROWS_PER_TILE
    nzb = _ROWS_PER_TILE // _K
    nzt = _ROWS_PER_TILE - nzb * _K
    rows = (rows0, rows1)
    gsem = (gs0, gs1)
    ssem = (ss0, ss1)

    def zero_acc():
        for i in range(nzb):
            pltpu.sync_copy(rows0, acc.at[pl.ds(r0 + i * _K, _K)])
        pltpu.sync_copy(rows0.at[pl.ds(0, nzt)],
                        acc.at[pl.ds(r0 + nzb * _K, nzt)])

    def gather_src(g):
        return feat_hbm.at[idx_v.at[pl.ds(g * _K, _K)]]

    def start_gather(g, b):
        pltpu.async_copy(gather_src(g), rows[b], gsem[b])

    def wait_gather(g, b):
        pltpu.make_async_copy(gather_src(g), rows[b], gsem[b]).wait()

    def start_scatter(g, b):
        pltpu.async_copy(rows[b], acc.at[seg_v.at[g]], ssem[b], add=True)

    def wait_scatter(b):
        pltpu.make_async_copy(rows[b], acc.at[seg_v.at[0]], ssem[b]).wait()

    def start_scatter_ones(g, b):
        pltpu.async_copy(rows0, acc.at[seg_v.at[g]], ssem[b], add=True)

    def wait_scatter_ones(b):
        pltpu.make_async_copy(rows0, acc.at[seg_v.at[0]], ssem[b]).wait()

    @pl.when(cid == 0)
    def _():
        _fill_2d(rows0, _K, D_FEAT, 0.0)
        zero_acc()
        plsc.subcore_barrier()

        for half in range(2):
            base = sid * _EPT + half * _HALF
            pltpu.sync_copy(nidx_hbm.at[pl.ds(base, _HALF)], idx_v)
            pltpu.sync_copy(seg_hbm.at[2 * sid + half], seg_v)

            start_gather(0, 0)

            def pair_a(i, _):
                for b in range(2):
                    g = 2 * i + b
                    b1 = (b + 1) % 2
                    pred = jnp.logical_and(g >= 1, g + 1 < _NBH)

                    @pl.when(pred)
                    def _():
                        wait_scatter(b1)

                    @pl.when(g + 1 < _NBH)
                    def _():
                        start_gather(g + 1, b1)

                    wait_gather(g, b)
                    start_scatter(g, b)
                return 0

            lax.fori_loop(0, _NBH // 2, pair_a, 0)
            wait_gather(_NBH - 1, 0)
            start_scatter(_NBH - 1, 0)
            wait_scatter(1)
            wait_scatter(0)

        plsc.subcore_barrier()
        pltpu.sync_copy(acc.at[pl.ds(r0, _ROWS_PER_TILE)],
                        sums_out.at[pl.ds(r0, _ROWS_PER_TILE)])

    @pl.when(cid == 1)
    def _():
        _fill_2d(rows0, _K, D_FEAT, 0.0)
        zero_acc()
        _fill_2d(rows0, _K, D_FEAT, 1.0)
        plsc.subcore_barrier()

        for half in range(2):
            pltpu.sync_copy(seg_hbm.at[2 * sid + half], seg_v)

            def pair_b(i, _):
                for b in range(2):
                    g = 2 * i + b

                    @pl.when(g >= 2)
                    def _():
                        wait_scatter_ones(b)

                    start_scatter_ones(g, b)
                return 0

            lax.fori_loop(0, _NBH // 2, pair_b, 0)
            wait_scatter_ones(0)
            start_scatter_ones(_NBH - 1, 0)
            wait_scatter_ones(1)
            wait_scatter_ones(0)

        plsc.subcore_barrier()
        pltpu.sync_copy(acc.at[pl.ds(r0, _ROWS_PER_TILE)],
                        cnts_out.at[pl.ds(r0, _ROWS_PER_TILE)])


_BLK = 2000


def _combine_body(sums_ref, cnts_ref, out_ref):
    s = sums_ref[...]
    c = cnts_ref[...]
    out_ref[...] = jnp.where(c > 0.0, s / jnp.maximum(c, 1.0), 0.0)


_combine = pl.pallas_call(
    _combine_body,
    grid=(N_NODES // _BLK,),
    in_specs=[
        pl.BlockSpec((_BLK, D_FEAT), lambda i: (i, 0)),
        pl.BlockSpec((_BLK, 1), lambda i: (i, 0)),
    ],
    out_specs=pl.BlockSpec((_BLK, D_FEAT), lambda i: (i, 0)),
    out_shape=jax.ShapeDtypeStruct((N_NODES, D_FEAT), jnp.float32),
)


def kernel(features, neighbor_idx, segment_ids, num_samples):
    del num_samples
    seg = segment_ids.reshape(_NS * 2, _NBH, _K)
    sums, cnts = _phase1(features, neighbor_idx, seg)
    cnts_col = cnts[:N_NODES, 0:1]
    return _combine(sums, cnts_col)

# --- scband reference (transcript-rebuilt; emitter-appended) ---
"""Pipeline reference for scband-aggregator-20710332301461 (READ-ONLY COPY).

The authoritative reference and input builder live on the scoring server;
editing this copy changes nothing except your own understanding.
"""

import jax, jax.numpy as jnp
import numpy as np

N_NODES = 10000
N_EDGES = 320000
D_FEAT = 128


def setup_inputs(seed: int = 0) -> dict:
    key = jax.random.key(seed)
    k1, k2, k3 = jax.random.split(key, 3)
    features = jax.random.normal(k1, (N_NODES, D_FEAT), dtype=jnp.float32)
    neighbor_idx = jax.random.randint(k2, (N_EDGES,), 0, N_NODES, dtype=jnp.int32)
    segment_ids = jnp.sort(jax.random.randint(k3, (N_EDGES,), 0, N_NODES, dtype=jnp.int32))
    return {
        "features": features,
        "neighbor_idx": neighbor_idx,
        "segment_ids": segment_ids,
        "num_samples": -1,
    }


def reference(features, neighbor_idx, segment_ids, num_samples):
    # num_samples == -1 path: use all neighbors (deterministic, no subsampling).
    # rows/mapping from the original torch module are flattened into
    # neighbor_idx (already-mapped feature rows per edge) and segment_ids
    # (which output node each edge belongs to, sorted).
    # Abstract _aggregate realized as mean (GraphSAGE MeanAggregator);
    # nodes with zero neighbors stay zero, matching the torch.zeros init.
    gathered = jnp.take(features, neighbor_idx, axis=0)          # [E, d] gather
    sums = jax.ops.segment_sum(gathered, segment_ids, num_segments=N_NODES)  # [N, d]
    counts = jax.ops.segment_sum(
        jnp.ones((gathered.shape[0],), dtype=jnp.float32),
        segment_ids,
        num_segments=N_NODES,
    )  # [N]
    denom = jnp.maximum(counts, 1.0)[:, None]
    out = jnp.where(counts[:, None] > 0, sums / denom, 0.0)
    return out


if False:  # reference __main__ guard neutralized (emitter)
    inp = setup_inputs()
    out = reference(**inp)
    print(out.shape, out.dtype)

if __name__ == "__main__":
    import jax
    _d = setup_inputs()
    print(jax.jit(kernel)(*tuple(_d.values())))

</pallas_src>

<mosaic_0001>
#map = affine_map<(d0, d1) -> (0, 0)>
#map1 = affine_map<(d0, d1) -> (0)>
#map2 = affine_map<(d0, d1) -> (0, 0, 0)>
module attributes {stable_mosaic.version = 14 : i64} {
  func.func @_phase1(%arg0: i32, %arg1: i32, %arg2: memref<10000x128xf32, #tpu.memory_space<hbm>>, %arg3: memref<320000xi32, #tpu.memory_space<hbm>>, %arg4: memref<32x125x80xi32, #tpu.memory_space<hbm>>, %arg5: memref<10112x128xf32, #tpu.memory_space<hbm>>, %arg6: memref<10112x128xf32, #tpu.memory_space<hbm>>, %arg7: memref<10000xi32, #tpu.memory_space<vmem>>, %arg8: memref<125x80xi32, #tpu.memory_space<vmem>>, %arg9: memref<80x128xf32, #tpu.memory_space<vmem>>, %arg10: memref<80x128xf32, #tpu.memory_space<vmem>>, %arg11: memref<10112x128xf32, #tpu.memory_space<vmem_shared>>, %arg12: memref<!tpu.dma_semaphore, #tpu.memory_space<semaphore_mem>>, %arg13: memref<!tpu.dma_semaphore, #tpu.memory_space<semaphore_mem>>, %arg14: memref<!tpu.dma_semaphore, #tpu.memory_space<semaphore_mem>>, %arg15: memref<!tpu.dma_semaphore, #tpu.memory_space<semaphore_mem>>) attributes {dimension_semantics = [#tpu.dimension_semantics<core_parallel>, #tpu.dimension_semantics<subcore_parallel>], iteration_bounds = array<i64: 2, 16>, scalar_prefetch = 0 : i64, scratch_operands = 9 : i64, tpu.core_type = #tpu.core_type<sc_vector_subcore>, window_params = [{transform_indices = #map}, {transform_indices = #map1}, {transform_indices = #map2}, {transform_indices = #map}, {transform_indices = #map}]} {
    %mul3A = arith.constant 632 : i32
    %mul3A_0 = arith.muli %arg1, %mul3A : i32
    %eq3A = arith.constant 0 : i32
    %eq3A_1 = arith.cmpi eq, %arg0, %eq3A : i32
    %convert_element_type3A = arith.extui %eq3A_1 : i1 to i32
    %cond3A = arith.constant 0 : i32
    %cond3A_2 = arith.cmpi ne, %convert_element_type3A, %cond3A : i32
    scf.if %cond3A_2 {
      %broadcast_in_dim3A = arith.constant 0.000000e+00 : f32
      %broadcast_in_dim3A_8 = vector.broadcast %broadcast_in_dim3A : f32 to vector<16xf32>
      %scan3A = arith.constant 0 : i32
      %scan3A_9 = arith.constant 0 : i32
      %scan3A_10 = arith.constant 80 : i32
      %scan3A_11 = arith.addi %scan3A_9, %scan3A_10 : i32
      %scan3A_12 = arith.constant 1 : i32
      %scan3A_13 = scf.for %scan3A_121 = %scan3A_9 to %scan3A_11 step %scan3A_12 iter_args(%scan3A_122 = %scan3A) -> (i32)  : i32 {
        %swap3A = arith.index_cast %scan3A_121 : i32 to index
        %swap3A_123 = arith.constant 0 : index
        %swap3A_124 = tpu.vector_load %arg9[%swap3A, %swap3A_123] {strides = array<i32>} : memref<80x128xf32, #tpu.memory_space<vmem>>, vector<1x16xf32>,
        %swap3A_125 = vector.shape_cast %swap3A_124 : vector<1x16xf32> to vector<16xf32>
        %swap3A_126 = vector.shape_cast %broadcast_in_dim3A_8 : vector<16xf32> to vector<1x16xf32>
        tpu.vector_store %arg9[%swap3A, %swap3A_123], %swap3A_126 {strides = array<i32>} : memref<80x128xf32, #tpu.memory_space<vmem>>, vector<1x16xf32>,
        %swap3A_127 = arith.index_cast %scan3A_121 : i32 to index
        %swap3A_128 = arith.constant 16 : index
        %swap3A_129 = tpu.vector_load %arg9[%swap3A_127, %swap3A_128] {strides = array<i32>} : memref<80x128xf32, #tpu.memory_space<vmem>>, vector<1x16xf32>,
        %swap3A_130 = vector.shape_cast %swap3A_129 : vector<1x16xf32> to vector<16xf32>
        %swap3A_131 = vector.shape_cast %broadcast_in_dim3A_8 : vector<16xf32> to vector<1x16xf32>
        tpu.vector_store %arg9[%swap3A_127, %swap3A_128], %swap3A_131 {strides = array<i32>} : memref<80x128xf32, #tpu.memory_space<vmem>>, vector<1x16xf32>,
        %swap3A_132 = arith.index_cast %scan3A_121 : i32 to index
        %swap3A_133 = arith.constant 32 : index
        %swap3A_134 = tpu.vector_load %arg9[%swap3A_132, %swap3A_133] {strides = array<i32>} : memref<80x128xf32, #tpu.memory_space<vmem>>, vector<1x16xf32>,
        %swap3A_135 = vector.shape_cast %swap3A_134 : vector<1x16xf32> to vector<16xf32>
        %swap3A_136 = vector.shape_cast %broadcast_in_dim3A_8 : vector<16xf32> to vector<1x16xf32>
        tpu.vector_store %arg9[%swap3A_132, %swap3A_133], %swap3A_136 {strides = array<i32>} : memref<80x128xf32, #tpu.memory_space<vmem>>, vector<1x16xf32>,
        %swap3A_137 = arith.index_cast %scan3A_121 : i32 to index
        %swap3A_138 = arith.constant 48 : index
        %swap3A_139 = tpu.vector_load %arg9[%swap3A_137, %swap3A_138] {strides = array<i32>} : memref<80x128xf32, #tpu.memory_space<vmem>>, vector<1x16xf32>,
        %swap3A_140 = vector.shape_cast %swap3A_139 : vector<1x16xf32> to vector<16xf32>
        %swap3A_141 = vector.shape_cast %broadcast_in_dim3A_8 : vector<16xf32> to vector<1x16xf32>
        tpu.vector_store %arg9[%swap3A_137, %swap3A_138], %swap3A_141 {strides = array<i32>} : memref<80x128xf32, #tpu.memory_space<vmem>>, vector<1x16xf32>,
        %swap3A_142 = arith.index_cast %scan3A_121 : i32 to index
        %swap3A_143 = arith.constant 64 : index
        %swap3A_144 = tpu.vector_load %arg9[%swap3A_142, %swap3A_143] {strides = array<i32>} : memref<80x128xf32, #tpu.memory_space<vmem>>, vector<1x16xf32>,
        %swap3A_145 = vector.shape_cast %swap3A_144 : vector<1x16xf32> to vector<16xf32>
        %swap3A_146 = vector.shape_cast %broadcast_in_dim3A_8 : vector<16xf32> to vector<1x16xf32>
        tpu.vector_store %arg9[%swap3A_142, %swap3A_143], %swap3A_146 {strides = array<i32>} : memref<80x128xf32, #tpu.memory_space<vmem>>, vector<1x16xf32>,
        %swap3A_147 = arith.index_cast %scan3A_121 : i32 to index
        %swap3A_148 = arith.constant 80 : index
        %swap3A_149 = tpu.vector_load %arg9[%swap3A_147, %swap3A_148] {strides = array<i32>} : memref<80x128xf32, #tpu.memory_space<vmem>>, vector<1x16xf32>,
        %swap3A_150 = vector.shape_cast %swap3A_149 : vector<1x16xf32> to vector<16xf32>
        %swap3A_151 = vector.shape_cast %broadcast_in_dim3A_8 : vector<16xf32> to vector<1x16xf32>
        tpu.vector_store %arg9[%swap3A_147, %swap3A_148], %swap3A_151 {strides = array<i32>} : memref<80x128xf32, #tpu.memory_space<vmem>>, vector<1x16xf32>,
        %swap3A_152 = arith.index_cast %scan3A_121 : i32 to index
        %swap3A_153 = arith.constant 96 : index
        %swap3A_154 = tpu.vector_load %arg9[%swap3A_152, %swap3A_153] {strides = array<i32>} : memref<80x128xf32, #tpu.memory_space<vmem>>, vector<1x16xf32>,
        %swap3A_155 = vector.shape_cast %swap3A_154 : vector<1x16xf32> to vector<16xf32>
        %swap3A_156 = vector.shape_cast %broadcast_in_dim3A_8 : vector<16xf32> to vector<1x16xf32>
        tpu.vector_store %arg9[%swap3A_152, %swap3A_153], %swap3A_156 {strides = array<i32>} : memref<80x128xf32, #tpu.memory_space<vmem>>, vector<1x16xf32>,
        %swap3A_157 = arith.index_cast %scan3A_121 : i32 to index
        %swap3A_158 = arith.constant 112 : index
        %swap3A_159 = tpu.vector_load %arg9[%swap3A_157, %swap3A_158] {strides = array<i32>} : memref<80x128xf32, #tpu.memory_space<vmem>>, vector<1x16xf32>,
        %swap3A_160 = vector.shape_cast %swap3A_159 : vector<1x16xf32> to vector<16xf32>
        %swap3A_161 = vector.shape_cast %broadcast_in_dim3A_8 : vector<16xf32> to vector<1x16xf32>
        tpu.vector_store %arg9[%swap3A_157, %swap3A_158], %swap3A_161 {strides = array<i32>} : memref<80x128xf32, #tpu.memory_space<vmem>>, vector<1x16xf32>,
        %scan3A_162 = arith.constant 0 : i32
        scf.yield %scan3A_162 : i32
      }
      %scan3A_14 = arith.constant 80 : i32
      %add3A = arith.constant 0 : i32
      %add3A_15 = arith.addi %mul3A_0, %add3A : i32
      "tpu.region"() ({
        %run_scoped3A = tpu.sem_alloc : memref<!tpu.dma_semaphore, #tpu.memory_space<semaphore_mem>>
        %dma_start3A_121 = arith.constant 0 : i32
        %dma_start3A_122 = tpu.memref_slice %arg11[%add3A_15, %dma_start3A_121] : memref<10112x128xf32, #tpu.memory_space<vmem_shared>> -> memref<80x128xf32, #tpu.memory_space<vmem_shared>>
        %dma_start3A_123 = arith.constant 0 : i32
        %dma_start3A_124 = tpu.memref_slice %arg11[%add3A_15, %dma_start3A_123] : memref<10112x128xf32, #tpu.memory_space<vmem_shared>> -> memref<80x128xf32, #tpu.memory_space<vmem_shared>>
        tpu.enqueue_dma source(%arg9 : memref<80x128xf32, #tpu.memory_space<vmem>>) target(%dma_start3A_124 : memref<80x128xf32, #tpu.memory_space<vmem_shared>>) target_semaphore(%run_scoped3A : memref<!tpu.dma_semaphore, #tpu.memory_space<semaphore_mem>>)
        %dma_wait3A_125 = arith.constant 0 : i32
        %dma_wait3A_126 = tpu.memref_slice %arg11[%add3A_15, %dma_wait3A_125] : memref<10112x128xf32, #tpu.memory_space<vmem_shared>> -> memref<80x128xf32, #tpu.memory_space<vmem_shared>>
        %dma_wait3A_127 = arith.constant 0 : i32
        %dma_wait3A_128 = tpu.memref_slice %arg11[%add3A_15, %dma_wait3A_127] : memref<10112x128xf32, #tpu.memory_space<vmem_shared>> -> memref<80x128xf32, #tpu.memory_space<vmem_shared>>
        tpu.wait_dma2 semaphore(%run_scoped3A : memref<!tpu.dma_semaphore, #tpu.memory_space<semaphore_mem>>) src(%arg9 : memref<80x128xf32, #tpu.memory_space<vmem>>) dst(%dma_wait3A_128 : memref<80x128xf32, #tpu.memory_space<vmem_shared>>)
        tpu.yield
      }) : () -> ()
      %add3A_16 = arith.constant 80 : i32
      %add3A_17 = arith.addi %mul3A_0, %add3A_16 : i32
      "tpu.region"() ({
        %run_scoped3A = tpu.sem_alloc : memref<!tpu.dma_semaphore, #tpu.memory_space<semaphore_mem>>
        %dma_start3A_121 = arith.constant 0 : i32
        %dma_start3A_122 = tpu.memref_slice %arg11[%add3A_17, %dma_start3A_121] : memref<10112x128xf32, #tpu.memory_space<vmem_shared>> -> memref<80x128xf32, #tpu.memory_space<vmem_shared>>
        %dma_start3A_123 = arith.constant 0 : i32
        %dma_start3A_124 = tpu.memref_slice %arg11[%add3A_17, %dma_start3A_123] : memref<10112x128xf32, #tpu.memory_space<vmem_shared>> -> memref<80x128xf32, #tpu.memory_space<vmem_shared>>
        tpu.enqueue_dma source(%arg9 : memref<80x128xf32, #tpu.memory_space<vmem>>) target(%dma_start3A_124 : memref<80x128xf32, #tpu.memory_space<vmem_shared>>) target_semaphore(%run_scoped3A : memref<!tpu.dma_semaphore, #tpu.memory_space<semaphore_mem>>)
        %dma_wait3A_125 = arith.constant 0 : i32
        %dma_wait3A_126 = tpu.memref_slice %arg11[%add3A_17, %dma_wait3A_125] : memref<10112x128xf32, #tpu.memory_space<vmem_shared>> -> memref<80x128xf32, #tpu.memory_space<vmem_shared>>
        %dma_wait3A_127 = arith.constant 0 : i32
        %dma_wait3A_128 = tpu.memref_slice %arg11[%add3A_17, %dma_wait3A_127] : memref<10112x128xf32, #tpu.memory_space<vmem_shared>> -> memref<80x128xf32, #tpu.memory_space<vmem_shared>>
        tpu.wait_dma2 semaphore(%run_scoped3A : memref<!tpu.dma_semaphore, #tpu.memory_space<semaphore_mem>>) src(%arg9 : memref<80x128xf32, #tpu.memory_space<vmem>>) dst(%dma_wait3A_128 : memref<80x128xf32, #tpu.memory_space<vmem_shared>>)
        tpu.yield
      }) : () -> ()
      %add3A_18 = arith.constant 160 : i32
      %add3A_19 = arith.addi %mul3A_0, %add3A_18 : i32
      "tpu.region"() ({
        %run_scoped3A = tpu.sem_alloc : memref<!tpu.dma_semaphore, #tpu.memory_space<semaphore_mem>>
        %dma_start3A_121 = arith.constant 0 : i32
        %dma_start3A_122 = tpu.memref_slice %arg11[%add3A_19, %dma_start3A_121] : memref<10112x128xf32, #tpu.memory_space<vmem_shared>> -> memref<80x128xf32, #tpu.memory_space<vmem_shared>>
        %dma_start3A_123 = arith.constant 0 : i32
        %dma_start3A_124 = tpu.memref_slice %arg11[%add3A_19, %dma_start3A_123] : memref<10112x128xf32, #tpu.memory_space<vmem_shared>> -> memref<80x128xf32, #tpu.memory_space<vmem_shared>>
        tpu.enqueue_dma source(%arg9 : memref<80x128xf32, #tpu.memory_space<vmem>>) target(%dma_start3A_124 : memref<80x128xf32, #tpu.memory_space<vmem_shared>>) target_semaphore(%run_scoped3A : memref<!tpu.dma_semaphore, #tpu.memory_space<semaphore_mem>>)
        %dma_wait3A_125 = arith.constant 0 : i32
        %dma_wait3A_126 = tpu.memref_slice %arg11[%add3A_19, %dma_wait3A_125] : memref<10112x128xf32, #tpu.memory_space<vmem_shared>> -> memref<80x128xf32, #tpu.memory_space<vmem_shared>>
        %dma_wait3A_127 = arith.constant 0 : i32
        %dma_wait3A_128 = tpu.memref_slice %arg11[%add3A_19, %dma_wait3A_127] : memref<10112x128xf32, #tpu.memory_space<vmem_shared>> -> memref<80x128xf32, #tpu.memory_space<vmem_shared>>
        tpu.wait_dma2 semaphore(%run_scoped3A : memref<!tpu.dma_semaphore, #tpu.memory_space<semaphore_mem>>) src(%arg9 : memref<80x128xf32, #tpu.memory_space<vmem>>) dst(%dma_wait3A_128 : memref<80x128xf32, #tpu.memory_space<vmem_shared>>)
        tpu.yield
      }) : () -> ()
      %add3A_20 = arith.constant 240 : i32
      %add3A_21 = arith.addi %mul3A_0, %add3A_20 : i32
      "tpu.region"() ({
        %run_scoped3A = tpu.sem_alloc : memref<!tpu.dma_semaphore, #tpu.memory_space<semaphore_mem>>
        %dma_start3A_121 = arith.constant 0 : i32
        %dma_start3A_122 = tpu.memref_slice %arg11[%add3A_21, %dma_start3A_121] : memref<10112x128xf32, #tpu.memory_space<vmem_shared>> -> memref<80x128xf32, #tpu.memory_space<vmem_shared>>
        %dma_start3A_123 = arith.constant 0 : i32
        %dma_start3A_124 = tpu.memref_slice %arg11[%add3A_21, %dma_start3A_123] : memref<10112x128xf32, #tpu.memory_space<vmem_shared>> -> memref<80x128xf32, #tpu.memory_space<vmem_shared>>
        tpu.enqueue_dma source(%arg9 : memref<80x128xf32, #tpu.memory_space<vmem>>) target(%dma_start3A_124 : memref<80x128xf32, #tpu.memory_space<vmem_shared>>) target_semaphore(%run_scoped3A : memref<!tpu.dma_semaphore, #tpu.memory_space<semaphore_mem>>)
        %dma_wait3A_125 = arith.constant 0 : i32
        %dma_wait3A_126 = tpu.memref_slice %arg11[%add3A_21, %dma_wait3A_125] : memref<10112x128xf32, #tpu.memory_space<vmem_shared>> -> memref<80x128xf32, #tpu.memory_space<vmem_shared>>
        %dma_wait3A_127 = arith.constant 0 : i32
        %dma_wait3A_128 = tpu.memref_slice %arg11[%add3A_21, %dma_wait3A_127] : memref<10112x128xf32, #tpu.memory_space<vmem_shared>> -> memref<80x128xf32, #tpu.memory_space<vmem_shared>>
        tpu.wait_dma2 semaphore(%run_scoped3A : memref<!tpu.dma_semaphore, #tpu.memory_space<semaphore_mem>>) src(%arg9 : memref<80x128xf32, #tpu.memory_space<vmem>>) dst(%dma_wait3A_128 : memref<80x128xf32, #tpu.memory_space<vmem_shared>>)
        tpu.yield
      }) : () -> ()
      %add3A_22 = arith.constant 320 : i32
      %add3A_23 = arith.addi %mul3A_0, %add3A_22 : i32
      "tpu.region"() ({
        %run_scoped3A = tpu.sem_alloc : memref<!tpu.dma_semaphore, #tpu.memory_space<semaphore_mem>>
        %dma_start3A_121 = arith.constant 0 : i32
        %dma_start3A_122 = tpu.memref_slice %arg11[%add3A_23, %dma_start3A_121] : memref<10112x128xf32, #tpu.memory_space<vmem_shared>> -> memref<80x128xf32, #tpu.memory_space<vmem_shared>>
        %dma_start3A_123 = arith.constant 0 : i32
        %dma_start3A_124 = tpu.memref_slice %arg11[%add3A_23, %dma_start3A_123] : memref<10112x128xf32, #tpu.memory_space<vmem_shared>> -> memref<80x128xf32, #tpu.memory_space<vmem_shared>>
        tpu.enqueue_dma source(%arg9 : memref<80x128xf32, #tpu.memory_space<vmem>>) target(%dma_start3A_124 : memref<80x128xf32, #tpu.memory_space<vmem_shared>>) target_semaphore(%run_scoped3A : memref<!tpu.dma_semaphore, #tpu.memory_space<semaphore_mem>>)
        %dma_wait3A_125 = arith.constant 0 : i32
        %dma_wait3A_126 = tpu.memref_slice %arg11[%add3A_23, %dma_wait3A_125] : memref<10112x128xf32, #tpu.memory_space<vmem_shared>> -> memref<80x128xf32, #tpu.memory_space<vmem_shared>>
        %dma_wait3A_127 = arith.constant 0 : i32
        %dma_wait3A_128 = tpu.memref_slice %arg11[%add3A_23, %dma_wait3A_127] : memref<10112x128xf32, #tpu.memory_space<vmem_shared>> -> memref<80x128xf32, #tpu.memory_space<vmem_shared>>
        tpu.wait_dma2 semaphore(%run_scoped3A : memref<!tpu.dma_semaphore, #tpu.memory_space<semaphore_mem>>) src(%arg9 : memref<80x128xf32, #tpu.memory_space<vmem>>) dst(%dma_wait3A_128 : memref<80x128xf32, #tpu.memory_space<vmem_shared>>)
        tpu.yield
      }) : () -> ()
      %add3A_24 = arith.constant 400 : i32
      %add3A_25 = arith.addi %mul3A_0, %add3A_24 : i32
      "tpu.region"() ({
        %run_scoped3A = tpu.sem_alloc : memref<!tpu.dma_semaphore, #tpu.memory_space<semaphore_mem>>
        %dma_start3A_121 = arith.constant 0 : i32
        %dma_start3A_122 = tpu.memref_slice %arg11[%add3A_25, %dma_start3A_121] : memref<10112x128xf32, #tpu.memory_space<vmem_shared>> -> memref<80x128xf32, #tpu.memory_space<vmem_shared>>
        %dma_start3A_123 = arith.constant 0 : i32
        %dma_start3A_124 = tpu.memref_slice %arg11[%add3A_25, %dma_start3A_123] : memref<10112x128xf32, #tpu.memory_space<vmem_shared>> -> memref<80x128xf32, #tpu.memory_space<vmem_shared>>
        tpu.enqueue_dma source(%arg9 : memref<80x128xf32, #tpu.memory_space<vmem>>) target(%dma_start3A_124 : memref<80x128xf32, #tpu.memory_space<vmem_shared>>) target_semaphore(%run_scoped3A : memref<!tpu.dma_semaphore, #tpu.memory_space<semaphore_mem>>)
        %dma_wait3A_125 = arith.constant 0 : i32
        %dma_wait3A_126 = tpu.memref_slice %arg11[%add3A_25, %dma_wait3A_125] : memref<10112x128xf32, #tpu.memory_space<vmem_shared>> -> memref<80x128xf32, #tpu.memory_space<vmem_shared>>
        %dma_wait3A_127 = arith.constant 0 : i32
        %dma_wait3A_128 = tpu.memref_slice %arg11[%add3A_25, %dma_wait3A_127] : memref<10112x128xf32, #tpu.memory_space<vmem_shared>> -> memref<80x128xf32, #tpu.memory_space<vmem_shared>>
        tpu.wait_dma2 semaphore(%run_scoped3A : memref<!tpu.dma_semaphore, #tpu.memory_space<semaphore_mem>>) src(%arg9 : memref<80x128xf32, #tpu.memory_space<vmem>>) dst(%dma_wait3A_128 : memref<80x128xf32, #tpu.memory_space<vmem_shared>>)
        tpu.yield
      }) : () -> ()
      %add3A_26 = arith.constant 480 : i32
      %add3A_27 = arith.addi %mul3A_0, %add3A_26 : i32
      "tpu.region"() ({
        %run_scoped3A = tpu.sem_alloc : memref<!tpu.dma_semaphore, #tpu.memory_space<semaphore_mem>>
        %dma_start3A_121 = arith.constant 0 : i32
        %dma_start3A_122 = tpu.memref_slice %arg11[%add3A_27, %dma_start3A_121] : memref<10112x128xf32, #tpu.memory_space<vmem_shared>> -> memref<80x128xf32, #tpu.memory_space<vmem_shared>>
        %dma_start3A_123 = arith.constant 0 : i32
        %dma_start3A_124 = tpu.memref_slice %arg11[%add3A_27, %dma_start3A_123] : memref<10112x128xf32, #tpu.memory_space<vmem_shared>> -> memref<80x128xf32, #tpu.memory_space<vmem_shared>>
        tpu.enqueue_dma source(%arg9 : memref<80x128xf32, #tpu.memory_space<vmem>>) target(%dma_start3A_124 : memref<80x128xf32, #tpu.memory_space<vmem_shared>>) target_semaphore(%run_scoped3A : memref<!tpu.dma_semaphore, #tpu.memory_space<semaphore_mem>>)
        %dma_wait3A_125 = arith.constant 0 : i32
        %dma_wait3A_126 = tpu.memref_slice %arg11[%add3A_27, %dma_wait3A_125] : memref<10112x128xf32, #tpu.memory_space<vmem_shared>> -> memref<80x128xf32, #tpu.memory_space<vmem_shared>>
        %dma_wait3A_127 = arith.constant 0 : i32
        %dma_wait3A_128 = tpu.memref_slice %arg11[%add3A_27, %dma_wait3A_127] : memref<10112x128xf32, #tpu.memory_space<vmem_shared>> -> memref<80x128xf32, #tpu.memory_space<vmem_shared>>
        tpu.wait_dma2 semaphore(%run_scoped3A : memref<!tpu.dma_semaphore, #tpu.memory_space<semaphore_mem>>) src(%arg9 : memref<80x128xf32, #tpu.memory_space<vmem>>) dst(%dma_wait3A_128 : memref<80x128xf32, #tpu.memory_space<vmem_shared>>)
        tpu.yield
      }) : () -> ()
      %add3A_28 = arith.constant 560 : i32
      %add3A_29 = arith.addi %mul3A_0, %add3A_28 : i32
      "tpu.region"() ({
        %run_scoped3A = tpu.sem_alloc : memref<!tpu.dma_semaphore, #tpu.memory_space<semaphore_mem>>
        %dma_start3A_121 = arith.constant 0 : i32
        %dma_start3A_122 = arith.constant 0 : i32
        %dma_start3A_123 = tpu.memref_slice %arg9[%dma_start3A_121, %dma_start3A_122] : memref<80x128xf32, #tpu.memory_space<vmem>> -> memref<72x128xf32, #tpu.memory_space<vmem>>
        %dma_start3A_124 = arith.constant 0 : i32
        %dma_start3A_125 = tpu.memref_slice %arg11[%add3A_29, %dma_start3A_124] : memref<10112x128xf32, #tpu.memory_space<vmem_shared>> -> memref<72x128xf32, #tpu.memory_space<vmem_shared>>
        %dma_start3A_126 = arith.constant 0 : i32
        %dma_start3A_127 = tpu.memref_slice %arg11[%add3A_29, %dma_start3A_126] : memref<10112x128xf32, #tpu.memory_space<vmem_shared>> -> memref<72x128xf32, #tpu.memory_space<vmem_shared>>
        %dma_start3A_128 = arith.constant 0 : i32
        %dma_start3A_129 = arith.constant 0 : i32
        %dma_start3A_130 = tpu.memref_slice %arg9[%dma_start3A_128, %dma_start3A_129] : memref<80x128xf32, #tpu.memory_space<vmem>> -> memref<72x128xf32, #tpu.memory_space<vmem>>
        tpu.enqueue_dma source(%dma_start3A_130 : memref<72x128xf32, #tpu.memory_space<vmem>>) target(%dma_start3A_127 : memref<72x128xf32, #tpu.memory_space<vmem_shared>>) target_semaphore(%run_scoped3A : memref<!tpu.dma_semaphore, #tpu.memory_space<semaphore_mem>>)
        %dma_wait3A_131 = arith.constant 0 : i32
        %dma_wait3A_132 = arith.constant 0 : i32
        %dma_wait3A_133 = tpu.memref_slice %arg9[%dma_wait3A_131, %dma_wait3A_132] : memref<80x128xf32, #tpu.memory_space<vmem>> -> memref<72x128xf32, #tpu.memory_space<vmem>>
        %dma_wait3A_134 = arith.constant 0 : i32
        %dma_wait3A_135 = tpu.memref_slice %arg11[%add3A_29, %dma_wait3A_134] : memref<10112x128xf32, #tpu.memory_space<vmem_shared>> -> memref<72x128xf32, #tpu.memory_space<vmem_shared>>
        %dma_wait3A_136 = arith.constant 0 : i32
        %dma_wait3A_137 = tpu.memref_slice %arg11[%add3A_29, %dma_wait3A_136] : memref<10112x128xf32, #tpu.memory_space<vmem_shared>> -> memref<72x128xf32, #tpu.memory_space<vmem_shared>>
        %dma_wait3A_138 = arith.constant 0 : i32
        %dma_wait3A_139 = arith.constant 0 : i32
        %dma_wait3A_140 = tpu.memref_slice %arg9[%dma_wait3A_138, %dma_wait3A_139] : memref<80x128xf32, #tpu.memory_space<vmem>> -> memref<72x128xf32, #tpu.memory_space<vmem>>
        tpu.wait_dma2 semaphore(%run_scoped3A : memref<!tpu.dma_semaphore, #tpu.memory_space<semaphore_mem>>) src(%dma_wait3A_140 : memref<72x128xf32, #tpu.memory_space<vmem>>) dst(%dma_wait3A_137 : memref<72x128xf32, #tpu.memory_space<vmem_shared>>)
        tpu.yield
      }) : () -> ()
      %barrier3A = arith.constant 0 : index
      tpu.barrier barrier_id(%barrier3A)
      %mul3A_30 = arith.constant 20000 : i32
      %mul3A_31 = arith.muli %arg1, %mul3A_30 : i32
      %add3A_32 = arith.constant 0 : i32
      %add3A_33 = arith.addi %mul3A_31, %add3A_32 : i32
      "tpu.region"() ({
        %run_scoped3A = tpu.sem_alloc : memref<!tpu.dma_semaphore, #tpu.memory_space<semaphore_mem>>
        %dma_start3A_121 = tpu.memref_slice %arg3[%add3A_33] : memref<320000xi32, #tpu.memory_space<hbm>> -> memref<10000xi32, #tpu.memory_space<hbm>>
        %dma_start3A_122 = tpu.memref_slice %arg3[%add3A_33] : memref<320000xi32, #tpu.memory_space<hbm>> -> memref<10000xi32, #tpu.memory_space<hbm>>
        tpu.enqueue_dma source(%dma_start3A_122 : memref<10000xi32, #tpu.memory_space<hbm>>) target(%arg7 : memref<10000xi32, #tpu.memory_space<vmem>>) target_semaphore(%run_scoped3A : memref<!tpu.dma_semaphore, #tpu.memory_space<semaphore_mem>>)
        %dma_wait3A_123 = tpu.memref_slice %arg3[%add3A_33] : memref<320000xi32, #tpu.memory_space<hbm>> -> memref<10000xi32, #tpu.memory_space<hbm>>
        %dma_wait3A_124 = tpu.memref_slice %arg3[%add3A_33] : memref<320000xi32, #tpu.memory_space<hbm>> -> memref<10000xi32, #tpu.memory_space<hbm>>
        tpu.wait_dma2 semaphore(%run_scoped3A : memref<!tpu.dma_semaphore, #tpu.memory_space<semaphore_mem>>) src(%dma_wait3A_124 : memref<10000xi32, #tpu.memory_space<hbm>>) dst(%arg7 : memref<10000xi32, #tpu.memory_space<vmem>>)
        tpu.yield
      }) : () -> ()
      %mul3A_34 = arith.constant 2 : i32
      %mul3A_35 = arith.muli %mul3A_34, %arg1 : i32
      %add3A_36 = arith.constant 0 : i32
      %add3A_37 = arith.addi %mul3A_35, %add3A_36 : i32
      "tpu.region"() ({
        %run_scoped3A = tpu.sem_alloc : memref<!tpu.dma_semaphore, #tpu.memory_space<semaphore_mem>>
        %dma_start3A_121 = arith.constant 0 : i32
        %dma_start3A_122 = arith.constant 0 : i32
        %dma_start3A_123 = tpu.memref_slice %arg4[%add3A_37, %dma_start3A_121, %dma_start3A_122] : memref<32x125x80xi32, #tpu.memory_space<hbm>> -> memref<1x125x80xi32, #tpu.memory_space<hbm>>
        %dma_start3A_124 = tpu.memref_squeeze %dma_start3A_123 : memref<1x125x80xi32, #tpu.memory_space<hbm>> -> memref<125x80xi32, #tpu.memory_space<hbm>>
        %dma_start3A_125 = arith.constant 0 : i32
        %dma_start3A_126 = arith.constant 0 : i32
        %dma_start3A_127 = tpu.memref_slice %arg4[%add3A_37, %dma_start3A_125, %dma_start3A_126] : memref<32x125x80xi32, #tpu.memory_space<hbm>> -> memref<1x125x80xi32, #tpu.memory_space<hbm>>
        %dma_start3A_128 = tpu.memref_squeeze %dma_start3A_127 : memref<1x125x80xi32, #tpu.memory_space<hbm>> -> memref<125x80xi32, #tpu.memory_space<hbm>>
        tpu.enqueue_dma source(%dma_start3A_128 : memref<125x80xi32, #tpu.memory_space<hbm>>) target(%arg8 : memref<125x80xi32, #tpu.memory_space<vmem>>) target_semaphore(%run_scoped3A : memref<!tpu.dma_semaphore, #tpu.memory_space<semaphore_mem>>)
        %dma_wait3A_129 = arith.constant 0 : i32
        %dma_wait3A_130 = arith.constant 0 : i32
        %dma_wait3A_131 = tpu.memref_slice %arg4[%add3A_37, %dma_wait3A_129, %dma_wait3A_130] : memref<32x125x80xi32, #tpu.memory_space<hbm>> -> memref<1x125x80xi32, #tpu.memory_space<hbm>>
        %dma_wait3A_132 = tpu.memref_squeeze %dma_wait3A_131 : memref<1x125x80xi32, #tpu.memory_space<hbm>> -> memref<125x80xi32, #tpu.memory_space<hbm>>
        %dma_wait3A_133 = arith.constant 0 : i32
        %dma_wait3A_134 = arith.constant 0 : i32
        %dma_wait3A_135 = tpu.memref_slice %arg4[%add3A_37, %dma_wait3A_133, %dma_wait3A_134] : memref<32x125x80xi32, #tpu.memory_space<hbm>> -> memref<1x125x80xi32, #tpu.memory_space<hbm>>
        %dma_wait3A_136 = tpu.memref_squeeze %dma_wait3A_135 : memref<1x125x80xi32, #tpu.memory_space<hbm>> -> memref<125x80xi32, #tpu.memory_space<hbm>>
        tpu.wait_dma2 semaphore(%run_scoped3A : memref<!tpu.dma_semaphore, #tpu.memory_space<semaphore_mem>>) src(%dma_wait3A_136 : memref<125x80xi32, #tpu.memory_space<hbm>>) dst(%arg8 : memref<125x80xi32, #tpu.memory_space<vmem>>)
        tpu.yield
      }) : () -> ()
      %dma_start3A = arith.constant 0 : i32
      %dma_start3A_38 = tpu.memref_slice %arg7[%dma_start3A] : memref<10000xi32, #tpu.memory_space<vmem>> -> memref<80xi32, #tpu.memory_space<vmem>>
      %dma_start3A_39 = arith.constant 0 : i32
      %dma_start3A_40 = arith.constant 0 : i32
      %dma_start3A_41 = tpu.memref_slice %arg2[%dma_start3A_39, %dma_start3A_40] : memref<10000x128xf32, #tpu.memory_space<hbm>> -> memref<10000x128xf32, #tpu.memory_space<hbm>>
      tpu.enqueue_indirect_dma source(%dma_start3A_41 : memref<10000x128xf32, #tpu.memory_space<hbm>>) target(%arg9 : memref<80x128xf32, #tpu.memory_space<vmem>>) offsets(%dma_start3A_38 : memref<80xi32, #tpu.memory_space<vmem>>) semaphore(%arg12 : memref<!tpu.dma_semaphore, #tpu.memory_space<semaphore_mem>>)
      %scan3A_42 = arith.constant 0 : i32
      %scan3A_43 = arith.constant 0 : i32
      %scan3A_44 = arith.constant 62 : i32
      %scan3A_45 = arith.addi %scan3A_43, %scan3A_44 : i32
      %scan3A_46 = arith.constant 1 : i32
      %scan3A_47 = scf.for %scan3A_121 = %scan3A_43 to %scan3A_45 step %scan3A_46 iter_args(%scan3A_122 = %scan3A_42) -> (i32)  : i32 {
        %mul3A_123 = arith.constant 2 : i32
        %mul3A_124 = arith.muli %mul3A_123, %scan3A_121 : i32
        %add3A_125 = arith.constant 0 : i32
        %add3A_126 = arith.addi %mul3A_124, %add3A_125 : i32
        %ge3A = arith.constant 1 : i32
        %ge3A_127 = arith.cmpi sge, %add3A_126, %ge3A : i32
        %add3A_128 = arith.constant 1 : i32
        %add3A_129 = arith.addi %add3A_126, %add3A_128 : i32
        %lt3A = arith.constant 125 : i32
        %lt3A_130 = arith.cmpi slt, %add3A_129, %lt3A : i32
        %and3A = arith.andi %ge3A_127, %lt3A_130 : i1
        %convert_element_type3A_131 = arith.extui %and3A : i1 to i32
        %cond3A_132 = arith.constant 0 : i32
        %cond3A_133 = arith.cmpi ne, %convert_element_type3A_131, %cond3A_132 : i32
        scf.if %cond3A_133 {
          %dma_wait3A_187 = arith.constant 0 : i32
          %dma_wait3A_188 = arith.constant 0 : i32
          %dma_wait3A_189 = tpu.memref_slice %arg8[%dma_wait3A_187, %dma_wait3A_188] : memref<125x80xi32, #tpu.memory_space<vmem>> -> memref<1x80xi32, #tpu.memory_space<vmem>>
          %dma_wait3A_190 = tpu.memref_squeeze %dma_wait3A_189 : memref<1x80xi32, #tpu.memory_space<vmem>> -> memref<80xi32, #tpu.memory_space<vmem>>
          %dma_wait3A_191 = arith.constant 0 : i32
          %dma_wait3A_192 = arith.constant 0 : i32
          %dma_wait3A_193 = tpu.memref_slice %arg11[%dma_wait3A_191, %dma_wait3A_192] : memref<10112x128xf32, #tpu.memory_space<vmem_shared>> -> memref<10112x128xf32, #tpu.memory_space<vmem_shared>>
          tpu.wait_indirect_dma semaphore(%arg15 : memref<!tpu.dma_semaphore, #tpu.memory_space<semaphore_mem>>) src(%arg10 : memref<80x128xf32, #tpu.memory_space<vmem>>) dst(%dma_wait3A_193 : memref<10112x128xf32, #tpu.memory_space<vmem_shared>>)
        } else {
        }
        %add3A_134 = arith.constant 1 : i32
        %add3A_135 = arith.addi %add3A_126, %add3A_134 : i32
        %lt3A_136 = arith.constant 125 : i32
        %lt3A_137 = arith.cmpi slt, %add3A_135, %lt3A_136 : i32
        %convert_element_type3A_138 = arith.extui %lt3A_137 : i1 to i32
        %cond3A_139 = arith.constant 0 : i32
        %cond3A_140 = arith.cmpi ne, %convert_element_type3A_138, %cond3A_139 : i32
        scf.if %cond3A_140 {
          %add3A_187 = arith.constant 1 : i32
          %add3A_188 = arith.addi %add3A_126, %add3A_187 : i32
          %mul3A_189 = arith.constant 80 : i32
          %mul3A_190 = arith.muli %add3A_188, %mul3A_189 : i32
          %dma_start3A_191 = tpu.memref_slice %arg7[%mul3A_190] : memref<10000xi32, #tpu.memory_space<vmem>> -> memref<80xi32, #tpu.memory_space<vmem>>
          %dma_start3A_192 = arith.constant 0 : i32
          %dma_start3A_193 = arith.constant 0 : i32
          %dma_start3A_194 = tpu.memref_slice %arg2[%dma_start3A_192, %dma_start3A_193] : memref<10000x128xf32, #tpu.memory_space<hbm>> -> memref<10000x128xf32, #tpu.memory_space<hbm>>
          tpu.enqueue_indirect_dma source(%dma_start3A_194 : memref<10000x128xf32, #tpu.memory_space<hbm>>) target(%arg10 : memref<80x128xf32, #tpu.memory_space<vmem>>) offsets(%dma_start3A_191 : memref<80xi32, #tpu.memory_space<vmem>>) semaphore(%arg13 : memref<!tpu.dma_semaphore, #tpu.memory_space<semaphore_mem>>)
        } else {
        }
        %mul3A_141 = arith.constant 80 : i32
        %mul3A_142 = arith.muli %add3A_126, %mul3A_141 : i32
        %dma_wait3A_143 = tpu.memref_slice %arg7[%mul3A_142] : memref<10000xi32, #tpu.memory_space<vmem>> -> memref<80xi32, #tpu.memory_space<vmem>>
        %dma_wait3A_144 = arith.constant 0 : i32
        %dma_wait3A_145 = arith.constant 0 : i32
        %dma_wait3A_146 = tpu.memref_slice %arg2[%dma_wait3A_144, %dma_wait3A_145] : memref<10000x128xf32, #tpu.memory_space<hbm>> -> memref<10000x128xf32, #tpu.memory_space<hbm>>
        tpu.wait_indirect_dma semaphore(%arg12 : memref<!tpu.dma_semaphore, #tpu.memory_space<semaphore_mem>>) src(%dma_wait3A_146 : memref<10000x128xf32, #tpu.memory_space<hbm>>) dst(%arg9 : memref<80x128xf32, #tpu.memory_space<vmem>>)
        %dma_start3A_147 = arith.constant 0 : i32
        %dma_start3A_148 = tpu.memref_slice %arg8[%add3A_126, %dma_start3A_147] : memref<125x80xi32, #tpu.memory_space<vmem>> -> memref<1x80xi32, #tpu.memory_space<vmem>>
        %dma_start3A_149 = tpu.memref_squeeze %dma_start3A_148 : memref<1x80xi32, #tpu.memory_space<vmem>> -> memref<80xi32, #tpu.memory_space<vmem>>
        %dma_start3A_150 = arith.constant 0 : i32
        %dma_start3A_151 = arith.constant 0 : i32
        %dma_start3A_152 = tpu.memref_slice %arg11[%dma_start3A_150, %dma_start3A_151] : memref<10112x128xf32, #tpu.memory_space<vmem_shared>> -> memref<10112x128xf32, #tpu.memory_space<vmem_shared>>
        tpu.enqueue_indirect_dma source(%arg9 : memref<80x128xf32, #tpu.memory_space<vmem>>) target(%dma_start3A_152 : memref<10112x128xf32, #tpu.memory_space<vmem_shared>>) offsets(%dma_start3A_149 : memref<80xi32, #tpu.memory_space<vmem>>) semaphore(%arg14 : memref<!tpu.dma_semaphore, #tpu.memory_space<semaphore_mem>>) {add = true}
        %mul3A_153 = arith.constant 2 : i32
        %mul3A_154 = arith.muli %mul3A_153, %scan3A_121 : i32
        %add3A_155 = arith.constant 1 : i32
        %add3A_156 = arith.addi %mul3A_154, %add3A_155 : i32
        %ge3A_157 = arith.constant 1 : i32
        %ge3A_158 = arith.cmpi sge, %add3A_156, %ge3A_157 : i32
        %add3A_159 = arith.constant 1 : i32
        %add3A_160 = arith.addi %add3A_156, %add3A_159 : i32
        %lt3A_161 = arith.constant 125 : i32
        %lt3A_162 = arith.cmpi slt, %add3A_160, %lt3A_161 : i32
        %and3A_163 = arith.andi %ge3A_158, %lt3A_162 : i1
        %convert_element_type3A_164 = arith.extui %and3A_163 : i1 to i32
        %cond3A_165 = arith.constant 0 : i32
        %cond3A_166 = arith.cmpi ne, %convert_element_type3A_164, %cond3A_165 : i32
        scf.if %cond3A_166 {
          %dma_wait3A_187 = arith.constant 0 : i32
          %dma_wait3A_188 = arith.constant 0 : i32
          %dma_wait3A_189 = tpu.memref_slice %arg8[%dma_wait3A_187, %dma_wait3A_188] : memref<125x80xi32, #tpu.memory_space<vmem>> -> memref<1x80xi32, #tpu.memory_space<vmem>>
          %dma_wait3A_190 = tpu.memref_squeeze %dma_wait3A_189 : memref<1x80xi32, #tpu.memory_space<vmem>> -> memref<80xi32, #tpu.memory_space<vmem>>
          %dma_wait3A_191 = arith.constant 0 : i32
          %dma_wait3A_192 = arith.constant 0 : i32
          %dma_wait3A_193 = tpu.memref_slice %arg11[%dma_wait3A_191, %dma_wait3A_192] : memref<10112x128xf32, #tpu.memory_space<vmem_shared>> -> memref<10112x128xf32, #tpu.memory_space<vmem_shared>>
          tpu.wait_indirect_dma semaphore(%arg14 : memref<!tpu.dma_semaphore, #tpu.memory_space<semaphore_mem>>) src(%arg9 : memref<80x128xf32, #tpu.memory_space<vmem>>) dst(%dma_wait3A_193 : memref<10112x128xf32, #tpu.memory_space<vmem_shared>>)
        } else {
        }
        %add3A_167 = arith.constant 1 : i32
        %add3A_168 = arith.addi %add3A_156, %add3A_167 : i32
        %lt3A_169 = arith.constant 125 : i32
        %lt3A_170 = arith.cmpi slt, %add3A_168, %lt3A_169 : i32
        %convert_element_type3A_171 = arith.extui %lt3A_170 : i1 to i32
        %cond3A_172 = arith.constant 0 : i32
        %cond3A_173 = arith.cmpi ne, %convert_element_type3A_171, %cond3A_172 : i32
        scf.if %cond3A_173 {
          %add3A_187 = arith.constant 1 : i32
          %add3A_188 = arith.addi %add3A_156, %add3A_187 : i32
          %mul3A_189 = arith.constant 80 : i32
          %mul3A_190 = arith.muli %add3A_188, %mul3A_189 : i32
          %dma_start3A_191 = tpu.memref_slice %arg7[%mul3A_190] : memref<10000xi32, #tpu.memory_space<vmem>> -> memref<80xi32, #tpu.memory_space<vmem>>
          %dma_start3A_192 = arith.constant 0 : i32
          %dma_start3A_193 = arith.constant 0 : i32
          %dma_start3A_194 = tpu.memref_slice %arg2[%dma_start3A_192, %dma_start3A_193] : memref<10000x128xf32, #tpu.memory_space<hbm>> -> memref<10000x128xf32, #tpu.memory_space<hbm>>
          tpu.enqueue_indirect_dma source(%dma_start3A_194 : memref<10000x128xf32, #tpu.memory_space<hbm>>) target(%arg9 : memref<80x128xf32, #tpu.memory_space<vmem>>) offsets(%dma_start3A_191 : memref<80xi32, #tpu.memory_space<vmem>>) semaphore(%arg12 : memref<!tpu.dma_semaphore, #tpu.memory_space<semaphore_mem>>)
        } else {
        }
        %mul3A_174 = arith.constant 80 : i32
        %mul3A_175 = arith.muli %add3A_156, %mul3A_174 : i32
        %dma_wait3A_176 = tpu.memref_slice %arg7[%mul3A_175] : memref<10000xi32, #tpu.memory_space<vmem>> -> memref<80xi32, #tpu.memory_space<vmem>>
        %dma_wait3A_177 = arith.constant 0 : i32
        %dma_wait3A_178 = arith.constant 0 : i32
        %dma_wait3A_179 = tpu.memref_slice %arg2[%dma_wait3A_177, %dma_wait3A_178] : memref<10000x128xf32, #tpu.memory_space<hbm>> -> memref<10000x128xf32, #tpu.memory_space<hbm>>
        tpu.wait_indirect_dma semaphore(%arg13 : memref<!tpu.dma_semaphore, #tpu.memory_space<semaphore_mem>>) src(%dma_wait3A_179 : memref<10000x128xf32, #tpu.memory_space<hbm>>) dst(%arg10 : memref<80x128xf32, #tpu.memory_space<vmem>>)
        %dma_start3A_180 = arith.constant 0 : i32
        %dma_start3A_181 = tpu.memref_slice %arg8[%add3A_156, %dma_start3A_180] : memref<125x80xi32, #tpu.memory_space<vmem>> -> memref<1x80xi32, #tpu.memory_space<vmem>>
        %dma_start3A_182 = tpu.memref_squeeze %dma_start3A_181 : memref<1x80xi32, #tpu.memory_space<vmem>> -> memref<80xi32, #tpu.memory_space<vmem>>
        %dma_start3A_183 = arith.constant 0 : i32
        %dma_start3A_184 = arith.constant 0 : i32
        %dma_start3A_185 = tpu.memref_slice %arg11[%dma_start3A_183, %dma_start3A_184] : memref<10112x128xf32, #tpu.memory_space<vmem_shared>> -> memref<10112x128xf32, #tpu.memory_space<vmem_shared>>
        tpu.enqueue_indirect_dma source(%arg10 : memref<80x128xf32, #tpu.memory_space<vmem>>) target(%dma_start3A_185 : memref<10112x128xf32, #tpu.memory_space<vmem_shared>>) offsets(%dma_start3A_182 : memref<80xi32, #tpu.memory_space<vmem>>) semaphore(%arg15 : memref<!tpu.dma_semaphore, #tpu.memory_space<semaphore_mem>>) {add = true}
        %scan3A_186 = arith.constant 0 : i32
        scf.yield %scan3A_186 : i32
      }
      %scan3A_48 = arith.constant 62 : i32
      %dma_wait3A = arith.constant 9920 : i32
      %dma_wait3A_49 = tpu.memref_slice %arg7[%dma_wait3A] : memref<10000xi32, #tpu.memory_space<vmem>> -> memref<80xi32, #tpu.memory_space<vmem>>
      %dma_wait3A_50 = arith.constant 0 : i32
      %dma_wait3A_51 = arith.constant 0 : i32
      %dma_wait3A_52 = tpu.memref_slice %arg2[%dma_wait3A_50, %dma_wait3A_51] : memref<10000x128xf32, #tpu.memory_space<hbm>> -> memref<10000x128xf32, #tpu.memory_space<hbm>>
      tpu.wait_indirect_dma semaphore(%arg12 : memref<!tpu.dma_semaphore, #tpu.memory_space<semaphore_mem>>) src(%dma_wait3A_52 : memref<10000x128xf32, #tpu.memory_space<hbm>>) dst(%arg9 : memref<80x128xf32, #tpu.memory_space<vmem>>)
      %dma_start3A_53 = arith.constant 124 : i32
      %dma_start3A_54 = arith.constant 0 : i32
      %dma_start3A_55 = tpu.memref_slice %arg8[%dma_start3A_53, %dma_start3A_54] : memref<125x80xi32, #tpu.memory_space<vmem>> -> memref<1x80xi32, #tpu.memory_space<vmem>>
      %dma_start3A_56 = tpu.memref_squeeze %dma_start3A_55 : memref<1x80xi32, #tpu.memory_space<vmem>> -> memref<80xi32, #tpu.memory_space<vmem>>
      %dma_start3A_57 = arith.constant 0 : i32
      %dma_start3A_58 = arith.constant 0 : i32
      %dma_start3A_59 = tpu.memref_slice %arg11[%dma_start3A_57, %dma_start3A_58] : memref<10112x128xf32, #tpu.memory_space<vmem_shared>> -> memref<10112x128xf32, #tpu.memory_space<vmem_shared>>
      tpu.enqueue_indirect_dma source(%arg9 : memref<80x128xf32, #tpu.memory_space<vmem>>) target(%dma_start3A_59 : memref<10112x128xf32, #tpu.memory_space<vmem_shared>>) offsets(%dma_start3A_56 : memref<80xi32, #tpu.memory_space<vmem>>) semaphore(%arg14 : memref<!tpu.dma_semaphore, #tpu.memory_space<semaphore_mem>>) {add = true}
      %dma_wait3A_60 = arith.constant 0 : i32
      %dma_wait3A_61 = arith.constant 0 : i32
      %dma_wait3A_62 = tpu.memref_slice %arg8[%dma_wait3A_60, %dma_wait3A_61] : memref<125x80xi32, #tpu.memory_space<vmem>> -> memref<1x80xi32, #tpu.memory_space<vmem>>
      %dma_wait3A_63 = tpu.memref_squeeze %dma_wait3A_62 : memref<1x80xi32, #tpu.memory_space<vmem>> -> memref<80xi32, #tpu.memory_space<vmem>>
      %dma_wait3A_64 = arith.constant 0 : i32
      %dma_wait3A_65 = arith.constant 0 : i32
      %dma_wait3A_66 = tpu.memref_slice %arg11[%dma_wait3A_64, %dma_wait3A_65] : memref<10112x128xf32, #tpu.memory_space<vmem_shared>> -> memref<10112x128xf32, #tpu.memory_space<vmem_shared>>
      tpu.wait_indirect_dma semaphore(%arg15 : memref<!tpu.dma_semaphore, #tpu.memory_space<semaphore_mem>>) src(%arg10 : memref<80x128xf32, #tpu.memory_space<vmem>>) dst(%dma_wait3A_66 : memref<10112x128xf32, #tpu.memory_space<vmem_shared>>)
      %dma_wait3A_67 = arith.constant 0 : i32
      %dma_wait3A_68 = arith.constant 0 : i32
      %dma_wait3A_69 = tpu.memref_slice %arg8[%dma_wait3A_67, %dma_wait3A_68] : memref<125x80xi32, #tpu.memory_space<vmem>> -> memref<1x80xi32, #tpu.memory_space<vmem>>
      %dma_wait3A_70 = tpu.memref_squeeze %dma_wait3A_69 : memref<1x80xi32, #tpu.memory_space<vmem>> -> memref<80xi32, #tpu.memory_space<vmem>>
      %dma_wait3A_71 = arith.constant 0 : i32
      %dma_wait3A_72 = arith.constant 0 : i32
      %dma_wait3A_73 = tpu.memref_slice %arg11[%dma_wait3A_71, %dma_wait3A_72] : memref<10112x128xf32, #tpu.memory_space<vmem_shared>> -> memref<10112x128xf32, #tpu.memory_space<vmem_shared>>
      tpu.wait_indirect_dma semaphore(%arg14 : memref<!tpu.dma_semaphore, #tpu.memory_space<semaphore_mem>>) src(%arg9 : memref<80x128xf32, #tpu.memory_space<vmem>>) dst(%dma_wait3A_73 : memref<10112x128xf32, #tpu.memory_space<vmem_shared>>)
      %mul3A_74 = arith.constant 20000 : i32
      %mul3A_75 = arith.muli %arg1, %mul3A_74 : i32
      %add3A_76 = arith.constant 10000 : i32
      %add3A_77 = arith.addi %mul3A_75, %add3A_76 : i32
      "tpu.region"() ({
        %run_scoped3A = tpu.sem_alloc : memref<!tpu.dma_semaphore, #tpu.memory_space<semaphore_mem>>
        %dma_start3A_121 = tpu.memref_slice %arg3[%add3A_77] : memref<320000xi32, #tpu.memory_space<hbm>> -> memref<10000xi32, #tpu.memory_space<hbm>>
        %dma_start3A_122 = tpu.memref_slice %arg3[%add3A_77] : memref<320000xi32, #tpu.memory_space<hbm>> -> memref<10000xi32, #tpu.memory_space<hbm>>
        tpu.enqueue_dma source(%dma_start3A_122 : memref<10000xi32, #tpu.memory_space<hbm>>) target(%arg7 : memref<10000xi32, #tpu.memory_space<vmem>>) target_semaphore(%run_scoped3A : memref<!tpu.dma_semaphore, #tpu.memory_space<semaphore_mem>>)
        %dma_wait3A_123 = tpu.memref_slice %arg3[%add3A_77] : memref<320000xi32, #tpu.memory_space<hbm>> -> memref<10000xi32, #tpu.memory_space<hbm>>
        %dma_wait3A_124 = tpu.memref_slice %arg3[%add3A_77] : memref<320000xi32, #tpu.memory_space<hbm>> -> memref<10000xi32, #tpu.memory_space<hbm>>
        tpu.wait_dma2 semaphore(%run_scoped3A : memref<!tpu.dma_semaphore, #tpu.memory_space<semaphore_mem>>) src(%dma_wait3A_124 : memref<10000xi32, #tpu.memory_space<hbm>>) dst(%arg7 : memref<10000xi32, #tpu.memory_space<vmem>>)
        tpu.yield
      }) : () -> ()
      %mul3A_78 = arith.constant 2 : i32
      %mul3A_79 = arith.muli %mul3A_78, %arg1 : i32
      %add3A_80 = arith.constant 1 : i32
      %add3A_81 = arith.addi %mul3A_79, %add3A_80 : i32
      "tpu.region"() ({
        %run_scoped3A = tpu.sem_alloc : memref<!tpu.dma_semaphore, #tpu.memory_space<semaphore_mem>>
        %dma_start3A_121 = arith.constant 0 : i32
        %dma_start3A_122 = arith.constant 0 : i32
        %dma_start3A_123 = tpu.memref_slice %arg4[%add3A_81, %dma_start3A_121, %dma_start3A_122] : memref<32x125x80xi32, #tpu.memory_space<hbm>> -> memref<1x125x80xi32, #tpu.memory_space<hbm>>
        %dma_start3A_124 = tpu.memref_squeeze %dma_start3A_123 : memref<1x125x80xi32, #tpu.memory_space<hbm>> -> memref<125x80xi32, #tpu.memory_space<hbm>>
        %dma_start3A_125 = arith.constant 0 : i32
        %dma_start3A_126 = arith.constant 0 : i32
        %dma_start3A_127 = tpu.memref_slice %arg4[%add3A_81, %dma_start3A_125, %dma_start3A_126] : memref<32x125x80xi32, #tpu.memory_space<hbm>> -> memref<1x125x80xi32, #tpu.memory_space<hbm>>
        %dma_start3A_128 = tpu.memref_squeeze %dma_start3A_127 : memref<1x125x80xi32, #tpu.memory_space<hbm>> -> memref<125x80xi32, #tpu.memory_space<hbm>>
        tpu.enqueue_dma source(%dma_start3A_128 : memref<125x80xi32, #tpu.memory_space<hbm>>) target(%arg8 : memref<125x80xi32, #tpu.memory_space<vmem>>) target_semaphore(%run_scoped3A : memref<!tpu.dma_semaphore, #tpu.memory_space<semaphore_mem>>)
        %dma_wait3A_129 = arith.constant 0 : i32
        %dma_wait3A_130 = arith.constant 0 : i32
        %dma_wait3A_131 = tpu.memref_slice %arg4[%add3A_81, %dma_wait3A_129, %dma_wait3A_130] : memref<32x125x80xi32, #tpu.memory_space<hbm>> -> memref<1x125x80xi32, #tpu.memory_space<hbm>>
        %dma_wait3A_132 = tpu.memref_squeeze %dma_wait3A_131 : memref<1x125x80xi32, #tpu.memory_space<hbm>> -> memref<125x80xi32, #tpu.memory_space<hbm>>
        %dma_wait3A_133 = arith.constant 0 : i32
        %dma_wait3A_134 = arith.constant 0 : i32
        %dma_wait3A_135 = tpu.memref_slice %arg4[%add3A_81, %dma_wait3A_133, %dma_wait3A_134] : memref<32x125x80xi32, #tpu.memory_space<hbm>> -> memref<1x125x80xi32, #tpu.memory_space<hbm>>
        %dma_wait3A_136 = tpu.memref_squeeze %dma_wait3A_135 : memref<1x125x80xi32, #tpu.memory_space<hbm>> -> memref<125x80xi32, #tpu.memory_space<hbm>>
        tpu.wait_dma2 semaphore(%run_scoped3A : memref<!tpu.dma_semaphore, #tpu.memory_space<semaphore_mem>>) src(%dma_wait3A_136 : memref<125x80xi32, #tpu.memory_space<hbm>>) dst(%arg8 : memref<125x80xi32, #tpu.memory_space<vmem>>)
        tpu.yield
      }) : () -> ()
      %dma_start3A_82 = arith.constant 0 : i32
      %dma_start3A_83 = tpu.memref_slice %arg7[%dma_start3A_82] : memref<10000xi32, #tpu.memory_space<vmem>> -> memref<80xi32, #tpu.memory_space<vmem>>
      %dma_start3A_84 = arith.constant 0 : i32
      %dma_start3A_85 = arith.constant 0 : i32
      %dma_start3A_86 = tpu.memref_slice %arg2[%dma_start3A_84, %dma_start3A_85] : memref<10000x128xf32, #tpu.memory_space<hbm>> -> memref<10000x128xf32, #tpu.memory_space<hbm>>
      tpu.enqueue_indirect_dma source(%dma_start3A_86 : memref<10000x128xf32, #tpu.memory_space<hbm>>) target(%arg9 : memref<80x128xf32, #tpu.memory_space<vmem>>) offsets(%dma_start3A_83 : memref<80xi32, #tpu.memory_space<vmem>>) semaphore(%arg12 : memref<!tpu.dma_semaphore, #tpu.memory_space<semaphore_mem>>)
      %scan3A_87 = arith.constant 0 : i32
      %scan3A_88 = arith.constant 0 : i32
      %scan3A_89 = arith.constant 62 : i32
      %scan3A_90 = arith.addi %scan3A_88, %scan3A_89 : i32
      %scan3A_91 = arith.constant 1 : i32
      %scan3A_92 = scf.for %scan3A_121 = %scan3A_88 to %scan3A_90 step %scan3A_91 iter_args(%scan3A_122 = %scan3A_87) -> (i32)  : i32 {
        %mul3A_123 = arith.constant 2 : i32
        %mul3A_124 = arith.muli %mul3A_123, %scan3A_121 : i32
        %add3A_125 = arith.constant 0 : i32
        %add3A_126 = arith.addi %mul3A_124, %add3A_125 : i32
        %ge3A = arith.constant 1 : i32
        %ge3A_127 = arith.cmpi sge, %add3A_126, %ge3A : i32
        %add3A_128 = arith.constant 1 : i32
        %add3A_129 = arith.addi %add3A_126, %add3A_128 : i32
        %lt3A = arith.constant 125 : i32
        %lt3A_130 = arith.cmpi slt, %add3A_129, %lt3A : i32
        %and3A = arith.andi %ge3A_127, %lt3A_130 : i1
        %convert_element_type3A_131 = arith.extui %and3A : i1 to i32
        %cond3A_132 = arith.constant 0 : i32
        %cond3A_133 = arith.cmpi ne, %convert_element_type3A_131, %cond3A_132 : i32
        scf.if %cond3A_133 {
          %dma_wait3A_187 = arith.constant 0 : i32
          %dma_wait3A_188 = arith.constant 0 : i32
          %dma_wait3A_189 = tpu.memref_slice %arg8[%dma_wait3A_187, %dma_wait3A_188] : memref<125x80xi32, #tpu.memory_space<vmem>> -> memref<1x80xi32, #tpu.memory_space<vmem>>
          %dma_wait3A_190 = tpu.memref_squeeze %dma_wait3A_189 : memref<1x80xi32, #tpu.memory_space<vmem>> -> memref<80xi32, #tpu.memory_space<vmem>>
          %dma_wait3A_191 = arith.constant 0 : i32
          %dma_wait3A_192 = arith.constant 0 : i32
          %dma_wait3A_193 = tpu.memref_slice %arg11[%dma_wait3A_191, %dma_wait3A_192] : memref<10112x128xf32, #tpu.memory_space<vmem_shared>> -> memref<10112x128xf32, #tpu.memory_space<vmem_shared>>
          tpu.wait_indirect_dma semaphore(%arg15 : memref<!tpu.dma_semaphore, #tpu.memory_space<semaphore_mem>>) src(%arg10 : memref<80x128xf32, #tpu.memory_space<vmem>>) dst(%dma_wait3A_193 : memref<10112x128xf32, #tpu.memory_space<vmem_shared>>)
        } else {
        }
        %add3A_134 = arith.constant 1 : i32
        %add3A_135 = arith.addi %add3A_126, %add3A_134 : i32
        %lt3A_136 = arith.constant 125 : i32
        %lt3A_137 = arith.cmpi slt, %add3A_135, %lt3A_136 : i32
        %convert_element_type3A_138 = arith.extui %lt3A_137 : i1 to i32
        %cond3A_139 = arith.constant 0 : i32
        %cond3A_140 = arith.cmpi ne, %convert_element_type3A_138, %cond3A_139 : i32
        scf.if %cond3A_140 {
          %add3A_187 = arith.constant 1 : i32
          %add3A_188 = arith.addi %add3A_126, %add3A_187 : i32
          %mul3A_189 = arith.constant 80 : i32
          %mul3A_190 = arith.muli %add3A_188, %mul3A_189 : i32
          %dma_start3A_191 = tpu.memref_slice %arg7[%mul3A_190] : memref<10000xi32, #tpu.memory_space<vmem>> -> memref<80xi32, #tpu.memory_space<vmem>>
          %dma_start3A_192 = arith.constant 0 : i32
          %dma_start3A_193 = arith.constant 0 : i32
          %dma_start3A_194 = tpu.memref_slice %arg2[%dma_start3A_192, %dma_start3A_193] : memref<10000x128xf32, #tpu.memory_space<hbm>> -> memref<10000x128xf32, #tpu.memory_space<hbm>>
          tpu.enqueue_indirect_dma source(%dma_start3A_194 : memref<10000x128xf32, #tpu.memory_space<hbm>>) target(%arg10 : memref<80x128xf32, #tpu.memory_space<vmem>>) offsets(%dma_start3A_191 : memref<80xi32, #tpu.memory_space<vmem>>) semaphore(%arg13 : memref<!tpu.dma_semaphore, #tpu.memory_space<semaphore_mem>>)
        } else {
        }
        %mul3A_141 = arith.constant 80 : i32
        %mul3A_142 = arith.muli %add3A_126, %mul3A_141 : i32
        %dma_wait3A_143 = tpu.memref_slice %arg7[%mul3A_142] : memref<10000xi32, #tpu.memory_space<vmem>> -> memref<80xi32, #tpu.memory_space<vmem>>
        %dma_wait3A_144 = arith.constant 0 : i32
        %dma_wait3A_145 = arith.constant 0 : i32
        %dma_wait3A_146 = tpu.memref_slice %arg2[%dma_wait3A_144, %dma_wait3A_145] : memref<10000x128xf32, #tpu.memory_space<hbm>> -> memref<10000x128xf32, #tpu.memory_space<hbm>>
        tpu.wait_indirect_dma semaphore(%arg12 : memref<!tpu.dma_semaphore, #tpu.memory_space<semaphore_mem>>) src(%dma_wait3A_146 : memref<10000x128xf32, #tpu.memory_space<hbm>>) dst(%arg9 : memref<80x128xf32, #tpu.memory_space<vmem>>)
        %dma_start3A_147 = arith.constant 0 : i32
        %dma_start3A_148 = tpu.memref_slice %arg8[%add3A_126, %dma_start3A_147] : memref<125x80xi32, #tpu.memory_space<vmem>> -> memref<1x80xi32, #tpu.memory_space<vmem>>
        %dma_start3A_149 = tpu.memref_squeeze %dma_start3A_148 : memref<1x80xi32, #tpu.memory_space<vmem>> -> memref<80xi32, #tpu.memory_space<vmem>>
        %dma_start3A_150 = arith.constant 0 : i32
        %dma_start3A_151 = arith.constant 0 : i32
        %dma_start3A_152 = tpu.memref_slice %arg11[%dma_start3A_150, %dma_start3A_151] : memref<10112x128xf32, #tpu.memory_space<vmem_shared>> -> memref<10112x128xf32, #tpu.memory_space<vmem_shared>>
        tpu.enqueue_indirect_dma source(%arg9 : memref<80x128xf32, #tpu.memory_space<vmem>>) target(%dma_start3A_152 : memref<10112x128xf32, #tpu.memory_space<vmem_shared>>) offsets(%dma_start3A_149 : memref<80xi32, #tpu.memory_space<vmem>>) semaphore(%arg14 : memref<!tpu.dma_semaphore, #tpu.memory_space<semaphore_mem>>) {add = true}
        %mul3A_153 = arith.constant 2 : i32
        %mul3A_154 = arith.muli %mul3A_153, %scan3A_121 : i32
        %add3A_155 = arith.constant 1 : i32
        %add3A_156 = arith.addi %mul3A_154, %add3A_155 : i32
        %ge3A_157 = arith.constant 1 : i32
        %ge3A_158 = arith.cmpi sge, %add3A_156, %ge3A_157 : i32
        %add3A_159 = arith.constant 1 : i32
        %add3A_160 = arith.addi %add3A_156, %add3A_159 : i32
        %lt3A_161 = arith.constant 125 : i32
        %lt3A_162 = arith.cmpi slt, %add3A_160, %lt3A_161 : i32
        %and3A_163 = arith.andi %ge3A_158, %lt3A_162 : i1
        %convert_element_type3A_164 = arith.extui %and3A_163 : i1 to i32
        %cond3A_165 = arith.constant 0 : i32
        %cond3A_166 = arith.cmpi ne, %convert_element_type3A_164, %cond3A_165 : i32
        scf.if %cond3A_166 {
          %dma_wait3A_187 = arith.constant 0 : i32
          %dma_wait3A_188 = arith.constant 0 : i32
          %dma_wait3A_189 = tpu.memref_slice %arg8[%dma_wait3A_187, %dma_wait3A_188] : memref<125x80xi32, #tpu.memory_space<vmem>> -> memref<1x80xi32, #tpu.memory_space<vmem>>
          %dma_wait3A_190 = tpu.memref_squeeze %dma_wait3A_189 : memref<1x80xi32, #tpu.memory_space<vmem>> -> memref<80xi32, #tpu.memory_space<vmem>>
          %dma_wait3A_191 = arith.constant 0 : i32
          %dma_wait3A_192 = arith.constant 0 : i32
          %dma_wait3A_193 = tpu.memref_slice %arg11[%dma_wait3A_191, %dma_wait3A_192] : memref<10112x128xf32, #tpu.memory_space<vmem_shared>> -> memref<10112x128xf32, #tpu.memory_space<vmem_shared>>
          tpu.wait_indirect_dma semaphore(%arg14 : memref<!tpu.dma_semaphore, #tpu.memory_space<semaphore_mem>>) src(%arg9 : memref<80x128xf32, #tpu.memory_space<vmem>>) dst(%dma_wait3A_193 : memref<10112x128xf32, #tpu.memory_space<vmem_shared>>)
        } else {
        }
        %add3A_167 = arith.constant 1 : i32
        %add3A_168 = arith.addi %add3A_156, %add3A_167 : i32
        %lt3A_169 = arith.constant 125 : i32
        %lt3A_170 = arith.cmpi slt, %add3A_168, %lt3A_169 : i32
        %convert_element_type3A_171 = arith.extui %lt3A_170 : i1 to i32
        %cond3A_172 = arith.constant 0 : i32
        %cond3A_173 = arith.cmpi ne, %convert_element_type3A_171, %cond3A_172 : i32
        scf.if %cond3A_173 {
          %add3A_187 = arith.constant 1 : i32
          %add3A_188 = arith.addi %add3A_156, %add3A_187 : i32
          %mul3A_189 = arith.constant 80 : i32
          %mul3A_190 = arith.muli %add3A_188, %mul3A_189 : i32
          %dma_start3A_191 = tpu.memref_slice %arg7[%mul3A_190] : memref<10000xi32, #tpu.memory_space<vmem>> -> memref<80xi32, #tpu.memory_space<vmem>>
          %dma_start3A_192 = arith.constant 0 : i32
          %dma_start3A_193 = arith.constant 0 : i32
          %dma_start3A_194 = tpu.memref_slice %arg2[%dma_start3A_192, %dma_start3A_193] : memref<10000x128xf32, #tpu.memory_space<hbm>> -> memref<10000x128xf32, #tpu.memory_space<hbm>>
          tpu.enqueue_indirect_dma source(%dma_start3A_194 : memref<10000x128xf32, #tpu.memory_space<hbm>>) target(%arg9 : memref<80x128xf32, #tpu.memory_space<vmem>>) offsets(%dma_start3A_191 : memref<80xi32, #tpu.memory_space<vmem>>) semaphore(%arg12 : memref<!tpu.dma_semaphore, #tpu.memory_space<semaphore_mem>>)
        } else {
        }
        %mul3A_174 = arith.constant 80 : i32
        %mul3A_175 = arith.muli %add3A_156, %mul3A_174 : i32
        %dma_wait3A_176 = tpu.memref_slice %arg7[%mul3A_175] : memref<10000xi32, #tpu.memory_space<vmem>> -> memref<80xi32, #tpu.memory_space<vmem>>
        %dma_wait3A_177 = arith.constant 0 : i32
        %dma_wait3A_178 = arith.constant 0 : i32
        %dma_wait3A_179 = tpu.memref_slice %arg2[%dma_wait3A_177, %dma_wait3A_178] : memref<10000x128xf32, #tpu.memory_space<hbm>> -> memref<10000x128xf32, #tpu.memory_space<hbm>>
        tpu.wait_indirect_dma semaphore(%arg13 : memref<!tpu.dma_semaphore, #tpu.memory_space<semaphore_mem>>) src(%dma_wait3A_179 : memref<10000x128xf32, #tpu.memory_space<hbm>>) dst(%arg10 : memref<80x128xf32, #tpu.memory_space<vmem>>)
        %dma_start3A_180 = arith.constant 0 : i32
        %dma_start3A_181 = tpu.memref_slice %arg8[%add3A_156, %dma_start3A_180] : memref<125x80xi32, #tpu.memory_space<vmem>> -> memref<1x80xi32, #tpu.memory_space<vmem>>
        %dma_start3A_182 = tpu.memref_squeeze %dma_start3A_181 : memref<1x80xi32, #tpu.memory_space<vmem>> -> memref<80xi32, #tpu.memory_space<vmem>>
        %dma_start3A_183 = arith.constant 0 : i32
        %dma_start3A_184 = arith.constant 0 : i32
        %dma_start3A_185 = tpu.memref_slice %arg11[%dma_start3A_183, %dma_start3A_184] : memref<10112x128xf32, #tpu.memory_space<vmem_shared>> -> memref<10112x128xf32, #tpu.memory_space<vmem_shared>>
        tpu.enqueue_indirect_dma source(%arg10 : memref<80x128xf32, #tpu.memory_space<vmem>>) target(%dma_start3A_185 : memref<10112x128xf32, #tpu.memory_space<vmem_shared>>) offsets(%dma_start3A_182 : memref<80xi32, #tpu.memory_space<vmem>>) semaphore(%arg15 : memref<!tpu.dma_semaphore, #tpu.memory_space<semaphore_mem>>) {add = true}
        %scan3A_186 = arith.constant 0 : i32
        scf.yield %scan3A_186 : i32
      }
      %scan3A_93 = arith.constant 62 : i32
      %dma_wait3A_94 = arith.constant 9920 : i32
      %dma_wait3A_95 = tpu.memref_slice %arg7[%dma_wait3A_94] : memref<10000xi32, #tpu.memory_space<vmem>> -> memref<80xi32, #tpu.memory_space<vmem>>
      %dma_wait3A_96 = arith.constant 0 : i32
      %dma_wait3A_97 = arith.constant 0 : i32
      %dma_wait3A_98 = tpu.memref_slice %arg2[%dma_wait3A_96, %dma_wait3A_97] : memref<10000x128xf32, #tpu.memory_space<hbm>> -> memref<10000x128xf32, #tpu.memory_space<hbm>>
      tpu.wait_indirect_dma semaphore(%arg12 : memref<!tpu.dma_semaphore, #tpu.memory_space<semaphore_mem>>) src(%dma_wait3A_98 : memref<10000x128xf32, #tpu.memory_space<hbm>>) dst(%arg9 : memref<80x128xf32, #tpu.memory_space<vmem>>)
      %dma_start3A_99 = arith.constant 124 : i32
      %dma_start3A_100 = arith.constant 0 : i32
      %dma_start3A_101 = tpu.memref_slice %arg8[%dma_start3A_99, %dma_start3A_100] : memref<125x80xi32, #tpu.memory_space<vmem>> -> memref<1x80xi32, #tpu.memory_space<vmem>>
      %dma_start3A_102 = tpu.memref_squeeze %dma_start3A_101 : memref<1x80xi32, #tpu.memory_space<vmem>> -> memref<80xi32, #tpu.memory_space<vmem>>
      %dma_start3A_103 = arith.constant 0 : i32
      %dma_start3A_104 = arith.constant 0 : i32
      %dma_start3A_105 = tpu.memref_slice %arg11[%dma_start3A_103, %dma_start3A_104] : memref<10112x128xf32, #tpu.memory_space<vmem_shared>> -> memref<10112x128xf32, #tpu.memory_space<vmem_shared>>
      tpu.enqueue_indirect_dma source(%arg9 : memref<80x128xf32, #tpu.memory_space<vmem>>) target(%dma_start3A_105 : memref<10112x128xf32, #tpu.memory_space<vmem_shared>>) offsets(%dma_start3A_102 : memref<80xi32, #tpu.memory_space<vmem>>) semaphore(%arg14 : memref<!tpu.dma_semaphore, #tpu.memory_space<semaphore_mem>>) {add = true}
      %dma_wait3A_106 = arith.constant 0 : i32
      %dma_wait3A_107 = arith.constant 0 : i32
      %dma_wait3A_108 = tpu.memref_slice %arg8[%dma_wait3A_106, %dma_wait3A_107] : memref<125x80xi32, #tpu.memory_space<vmem>> -> memref<1x80xi32, #tpu.memory_space<vmem>>
      %dma_wait3A_109 = tpu.memref_squeeze %dma_wait3A_108 : memref<1x80xi32, #tpu.memory_space<vmem>> -> memref<80xi32, #tpu.memory_space<vmem>>
      %dma_wait3A_110 = arith.constant 0 : i32
      %dma_wait3A_111 = arith.constant 0 : i32
      %dma_wait3A_112 = tpu.memref_slice %arg11[%dma_wait3A_110, %dma_wait3A_111] : memref<10112x128xf32, #tpu.memory_space<vmem_shared>> -> memref<10112x128xf32, #tpu.memory_space<vmem_shared>>
      tpu.wait_indirect_dma semaphore(%arg15 : memref<!tpu.dma_semaphore, #tpu.memory_space<semaphore_mem>>) src(%arg10 : memref<80x128xf32, #tpu.memory_space<vmem>>) dst(%dma_wait3A_112 : memref<10112x128xf32, #tpu.memory_space<vmem_shared>>)
      %dma_wait3A_113 = arith.constant 0 : i32
      %dma_wait3A_114 = arith.constant 0 : i32
      %dma_wait3A_115 = tpu.memref_slice %arg8[%dma_wait3A_113, %dma_wait3A_114] : memref<125x80xi32, #tpu.memory_space<vmem>> -> memref<1x80xi32, #tpu.memory_space<vmem>>
      %dma_wait3A_116 = tpu.memref_squeeze %dma_wait3A_115 : memref<1x80xi32, #tpu.memory_space<vmem>> -> memref<80xi32, #tpu.memory_space<vmem>>
      %dma_wait3A_117 = arith.constant 0 : i32
      %dma_wait3A_118 = arith.constant 0 : i32
      %dma_wait3A_119 = tpu.memref_slice %arg11[%dma_wait3A_117, %dma_wait3A_118] : memref<10112x128xf32, #tpu.memory_space<vmem_shared>> -> memref<10112x128xf32, #tpu.memory_space<vmem_shared>>
      tpu.wait_indirect_dma semaphore(%arg14 : memref<!tpu.dma_semaphore, #tpu.memory_space<semaphore_mem>>) src(%arg9 : memref<80x128xf32, #tpu.memory_space<vmem>>) dst(%dma_wait3A_119 : memref<10112x128xf32, #tpu.memory_space<vmem_shared>>)
      %barrier3A_120 = arith.constant 0 : index
      tpu.barrier barrier_id(%barrier3A_120)
      "tpu.region"() ({
        %run_scoped3A = tpu.sem_alloc : memref<!tpu.dma_semaphore, #tpu.memory_space<semaphore_mem>>
        %dma_start3A_121 = arith.constant 0 : i32
        %dma_start3A_122 = tpu.memref_slice %arg5[%mul3A_0, %dma_start3A_121] : memref<10112x128xf32, #tpu.memory_space<hbm>> -> memref<632x128xf32, #tpu.memory_space<hbm>>
        %dma_start3A_123 = arith.constant 0 : i32
        %dma_start3A_124 = tpu.memref_slice %arg11[%mul3A_0, %dma_start3A_123] : memref<10112x128xf32, #tpu.memory_space<vmem_shared>> -> memref<632x128xf32, #tpu.memory_space<vmem_shared>>
        tpu.enqueue_dma source(%dma_start3A_124 : memref<632x128xf32, #tpu.memory_space<vmem_shared>>) target(%dma_start3A_122 : memref<632x128xf32, #tpu.memory_space<hbm>>) target_semaphore(%run_scoped3A : memref<!tpu.dma_semaphore, #tpu.memory_space<semaphore_mem>>)
        %dma_wait3A_125 = arith.constant 0 : i32
        %dma_wait3A_126 = tpu.memref_slice %arg5[%mul3A_0, %dma_wait3A_125] : memref<10112x128xf32, #tpu.memory_space<hbm>> -> memref<632x128xf32, #tpu.memory_space<hbm>>
        %dma_wait3A_127 = arith.constant 0 : i32
        %dma_wait3A_128 = tpu.memref_slice %arg11[%mul3A_0, %dma_wait3A_127] : memref<10112x128xf32, #tpu.memory_space<vmem_shared>> -> memref<632x128xf32, #tpu.memory_space<vmem_shared>>
        tpu.wait_dma2 semaphore(%run_scoped3A : memref<!tpu.dma_semaphore, #tpu.memory_space<semaphore_mem>>) src(%dma_wait3A_128 : memref<632x128xf32, #tpu.memory_space<vmem_shared>>) dst(%dma_wait3A_126 : memref<632x128xf32, #tpu.memory_space<hbm>>)
        tpu.yield
      }) : () -> ()
    } else {
    }
    %eq3A_3 = arith.constant 1 : i32
    %eq3A_4 = arith.cmpi eq, %arg0, %eq3A_3 : i32
    %convert_element_type3A_5 = arith.extui %eq3A_4 : i1 to i32
    %cond3A_6 = arith.constant 0 : i32
    %cond3A_7 = arith.cmpi ne, %convert_element_type3A_5, %cond3A_6 : i32
    scf.if %cond3A_7 {
      %broadcast_in_dim3A = arith.constant 0.000000e+00 : f32
      %broadcast_in_dim3A_8 = vector.broadcast %broadcast_in_dim3A : f32 to vector<16xf32>
      %scan3A = arith.constant 0 : i32
      %scan3A_9 = arith.constant 0 : i32
      %scan3A_10 = arith.constant 80 : i32
      %scan3A_11 = arith.addi %scan3A_9, %scan3A_10 : i32
      %scan3A_12 = arith.constant 1 : i32
      %scan3A_13 = scf.for %scan3A_116 = %scan3A_9 to %scan3A_11 step %scan3A_12 iter_args(%scan3A_117 = %scan3A) -> (i32)  : i32 {
        %swap3A = arith.index_cast %scan3A_116 : i32 to index
        %swap3A_118 = arith.constant 0 : index
        %swap3A_119 = tpu.vector_load %arg9[%swap3A, %swap3A_118] {strides = array<i32>} : memref<80x128xf32, #tpu.memory_space<vmem>>, vector<1x16xf32>,
        %swap3A_120 = vector.shape_cast %swap3A_119 : vector<1x16xf32> to vector<16xf32>
        %swap3A_121 = vector.shape_cast %broadcast_in_dim3A_8 : vector<16xf32> to vector<1x16xf32>
        tpu.vector_store %arg9[%swap3A, %swap3A_118], %swap3A_121 {strides = array<i32>} : memref<80x128xf32, #tpu.memory_space<vmem>>, vector<1x16xf32>,
        %swap3A_122 = arith.index_cast %scan3A_116 : i32 to index
        %swap3A_123 = arith.constant 16 : index
        %swap3A_124 = tpu.vector_load %arg9[%swap3A_122, %swap3A_123] {strides = array<i32>} : memref<80x128xf32, #tpu.memory_space<vmem>>, vector<1x16xf32>,
        %swap3A_125 = vector.shape_cast %swap3A_124 : vector<1x16xf32> to vector<16xf32>
        %swap3A_126 = vector.shape_cast %broadcast_in_dim3A_8 : vector<16xf32> to vector<1x16xf32>
        tpu.vector_store %arg9[%swap3A_122, %swap3A_123], %swap3A_126 {strides = array<i32>} : memref<80x128xf32, #tpu.memory_space<vmem>>, vector<1x16xf32>,
        %swap3A_127 = arith.index_cast %scan3A_116 : i32 to index
        %swap3A_128 = arith.constant 32 : index
        %swap3A_129 = tpu.vector_load %arg9[%swap3A_127, %swap3A_128] {strides = array<i32>} : memref<80x128xf32, #tpu.memory_space<vmem>>, vector<1x16xf32>,
        %swap3A_130 = vector.shape_cast %swap3A_129 : vector<1x16xf32> to vector<16xf32>
        %swap3A_131 = vector.shape_cast %broadcast_in_dim3A_8 : vector<16xf32> to vector<1x16xf32>
        tpu.vector_store %arg9[%swap3A_127, %swap3A_128], %swap3A_131 {strides = array<i32>} : memref<80x128xf32, #tpu.memory_space<vmem>>, vector<1x16xf32>,
        %swap3A_132 = arith.index_cast %scan3A_116 : i32 to index
        %swap3A_133 = arith.constant 48 : index
        %swap3A_134 = tpu.vector_load %arg9[%swap3A_132, %swap3A_133] {strides = array<i32>} : memref<80x128xf32, #tpu.memory_space<vmem>>, vector<1x16xf32>,
        %swap3A_135 = vector.shape_cast %swap3A_134 : vector<1x16xf32> to vector<16xf32>
        %swap3A_136 = vector.shape_cast %broadcast_in_dim3A_8 : vector<16xf32> to vector<1x16xf32>
        tpu.vector_store %arg9[%swap3A_132, %swap3A_133], %swap3A_136 {strides = array<i32>} : memref<80x128xf32, #tpu.memory_space<vmem>>, vector<1x16xf32>,
        %swap3A_137 = arith.index_cast %scan3A_116 : i32 to index
        %swap3A_138 = arith.constant 64 : index
        %swap3A_139 = tpu.vector_load %arg9[%swap3A_137, %swap3A_138] {strides = array<i32>} : memref<80x128xf32, #tpu.memory_space<vmem>>, vector<1x16xf32>,
        %swap3A_140 = vector.shape_cast %swap3A_139 : vector<1x16xf32> to vector<16xf32>
        %swap3A_141 = vector.shape_cast %broadcast_in_dim3A_8 : vector<16xf32> to vector<1x16xf32>
        tpu.vector_store %arg9[%swap3A_137, %swap3A_138], %swap3A_141 {strides = array<i32>} : memref<80x128xf32, #tpu.memory_space<vmem>>, vector<1x16xf32>,
        %swap3A_142 = arith.index_cast %scan3A_116 : i32 to index
        %swap3A_143 = arith.constant 80 : index
        %swap3A_144 = tpu.vector_load %arg9[%swap3A_142, %swap3A_143] {strides = array<i32>} : memref<80x128xf32, #tpu.memory_space<vmem>>, vector<1x16xf32>,
        %swap3A_145 = vector.shape_cast %swap3A_144 : vector<1x16xf32> to vector<16xf32>
        %swap3A_146 = vector.shape_cast %broadcast_in_dim3A_8 : vector<16xf32> to vector<1x16xf32>
        tpu.vector_store %arg9[%swap3A_142, %swap3A_143], %swap3A_146 {strides = array<i32>} : memref<80x128xf32, #tpu.memory_space<vmem>>, vector<1x16xf32>,
        %swap3A_147 = arith.index_cast %scan3A_116 : i32 to index
        %swap3A_148 = arith.constant 96 : index
        %swap3A_149 = tpu.vector_load %arg9[%swap3A_147, %swap3A_148] {strides = array<i32>} : memref<80x128xf32, #tpu.memory_space<vmem>>, vector<1x16xf32>,
        %swap3A_150 = vector.shape_cast %swap3A_149 : vector<1x16xf32> to vector<16xf32>
        %swap3A_151 = vector.shape_cast %broadcast_in_dim3A_8 : vector<16xf32> to vector<1x16xf32>
        tpu.vector_store %arg9[%swap3A_147, %swap3A_148], %swap3A_151 {strides = array<i32>} : memref<80x128xf32, #tpu.memory_space<vmem>>, vector<1x16xf32>,
        %swap3A_152 = arith.index_cast %scan3A_116 : i32 to index
        %swap3A_153 = arith.constant 112 : index
        %swap3A_154 = tpu.vector_load %arg9[%swap3A_152, %swap3A_153] {strides = array<i32>} : memref<80x128xf32, #tpu.memory_space<vmem>>, vector<1x16xf32>,
        %swap3A_155 = vector.shape_cast %swap3A_154 : vector<1x16xf32> to vector<16xf32>
        %swap3A_156 = vector.shape_cast %broadcast_in_dim3A_8 : vector<16xf32> to vector<1x16xf32>
        tpu.vector_store %arg9[%swap3A_152, %swap3A_153], %swap3A_156 {strides = array<i32>} : memref<80x128xf32, #tpu.memory_space<vmem>>, vector<1x16xf32>,
        %scan3A_157 = arith.constant 0 : i32
        scf.yield %scan3A_157 : i32
      }
      %scan3A_14 = arith.constant 80 : i32
      %add3A = arith.constant 0 : i32
      %add3A_15 = arith.addi %mul3A_0, %add3A : i32
      "tpu.region"() ({
        %run_scoped3A = tpu.sem_alloc : memref<!tpu.dma_semaphore, #tpu.memory_space<semaphore_mem>>
        %dma_start3A_116 = arith.constant 0 : i32
        %dma_start3A_117 = tpu.memref_slice %arg11[%add3A_15, %dma_start3A_116] : memref<10112x128xf32, #tpu.memory_space<vmem_shared>> -> memref<80x128xf32, #tpu.memory_space<vmem_shared>>
        %dma_start3A_118 = arith.constant 0 : i32
        %dma_start3A_119 = tpu.memref_slice %arg11[%add3A_15, %dma_start3A_118] : memref<10112x128xf32, #tpu.memory_space<vmem_shared>> -> memref<80x128xf32, #tpu.memory_space<vmem_shared>>
        tpu.enqueue_dma source(%arg9 : memref<80x128xf32, #tpu.memory_space<vmem>>) target(%dma_start3A_119 : memref<80x128xf32, #tpu.memory_space<vmem_shared>>) target_semaphore(%run_scoped3A : memref<!tpu.dma_semaphore, #tpu.memory_space<semaphore_mem>>)
        %dma_wait3A_120 = arith.constant 0 : i32
        %dma_wait3A_121 = tpu.memref_slice %arg11[%add3A_15, %dma_wait3A_120] : memref<10112x128xf32, #tpu.memory_space<vmem_shared>> -> memref<80x128xf32, #tpu.memory_space<vmem_shared>>
        %dma_wait3A_122 = arith.constant 0 : i32
        %dma_wait3A_123 = tpu.memref_slice %arg11[%add3A_15, %dma_wait3A_122] : memref<10112x128xf32, #tpu.memory_space<vmem_shared>> -> memref<80x128xf32, #tpu.memory_space<vmem_shared>>
        tpu.wait_dma2 semaphore(%run_scoped3A : memref<!tpu.dma_semaphore, #tpu.memory_space<semaphore_mem>>) src(%arg9 : memref<80x128xf32, #tpu.memory_space<vmem>>) dst(%dma_wait3A_123 : memref<80x128xf32, #tpu.memory_space<vmem_shared>>)
        tpu.yield
      }) : () -> ()
      %add3A_16 = arith.constant 80 : i32
      %add3A_17 = arith.addi %mul3A_0, %add3A_16 : i32
      "tpu.region"() ({
        %run_scoped3A = tpu.sem_alloc : memref<!tpu.dma_semaphore, #tpu.memory_space<semaphore_mem>>
        %dma_start3A_116 = arith.constant 0 : i32
        %dma_start3A_117 = tpu.memref_slice %arg11[%add3A_17, %dma_start3A_116] : memref<10112x128xf32, #tpu.memory_space<vmem_shared>> -> memref<80x128xf32, #tpu.memory_space<vmem_shared>>
        %dma_start3A_118 = arith.constant 0 : i32
        %dma_start3A_119 = tpu.memref_slice %arg11[%add3A_17, %dma_start3A_118] : memref<10112x128xf32, #tpu.memory_space<vmem_shared>> -> memref<80x128xf32, #tpu.memory_space<vmem_shared>>
        tpu.enqueue_dma source(%arg9 : memref<80x128xf32, #tpu.memory_space<vmem>>) target(%dma_start3A_119 : memref<80x128xf32, #tpu.memory_space<vmem_shared>>) target_semaphore(%run_scoped3A : memref<!tpu.dma_semaphore, #tpu.memory_space<semaphore_mem>>)
        %dma_wait3A_120 = arith.constant 0 : i32
        %dma_wait3A_121 = tpu.memref_slice %arg11[%add3A_17, %dma_wait3A_120] : memref<10112x128xf32, #tpu.memory_space<vmem_shared>> -> memref<80x128xf32, #tpu.memory_space<vmem_shared>>
        %dma_wait3A_122 = arith.constant 0 : i32
        %dma_wait3A_123 = tpu.memref_slice %arg11[%add3A_17, %dma_wait3A_122] : memref<10112x128xf32, #tpu.memory_space<vmem_shared>> -> memref<80x128xf32, #tpu.memory_space<vmem_shared>>
        tpu.wait_dma2 semaphore(%run_scoped3A : memref<!tpu.dma_semaphore, #tpu.memory_space<semaphore_mem>>) src(%arg9 : memref<80x128xf32, #tpu.memory_space<vmem>>) dst(%dma_wait3A_123 : memref<80x128xf32, #tpu.memory_space<vmem_shared>>)
        tpu.yield
      }) : () -> ()
      %add3A_18 = arith.constant 160 : i32
      %add3A_19 = arith.addi %mul3A_0, %add3A_18 : i32
      "tpu.region"() ({
        %run_scoped3A = tpu.sem_alloc : memref<!tpu.dma_semaphore, #tpu.memory_space<semaphore_mem>>
        %dma_start3A_116 = arith.constant 0 : i32
        %dma_start3A_117 = tpu.memref_slice %arg11[%add3A_19, %dma_start3A_116] : memref<10112x128xf32, #tpu.memory_space<vmem_shared>> -> memref<80x128xf32, #tpu.memory_space<vmem_shared>>
        %dma_start3A_118 = arith.constant 0 : i32
        %dma_start3A_119 = tpu.memref_slice %arg11[%add3A_19, %dma_start3A_118] : memref<10112x128xf32, #tpu.memory_space<vmem_shared>> -> memref<80x128xf32, #tpu.memory_space<vmem_shared>>
        tpu.enqueue_dma source(%arg9 : memref<80x128xf32, #tpu.memory_space<vmem>>) target(%dma_start3A_119 : memref<80x128xf32, #tpu.memory_space<vmem_shared>>) target_semaphore(%run_scoped3A : memref<!tpu.dma_semaphore, #tpu.memory_space<semaphore_mem>>)
        %dma_wait3A_120 = arith.constant 0 : i32
        %dma_wait3A_121 = tpu.memref_slice %arg11[%add3A_19, %dma_wait3A_120] : memref<10112x128xf32, #tpu.memory_space<vmem_shared>> -> memref<80x128xf32, #tpu.memory_space<vmem_shared>>
        %dma_wait3A_122 = arith.constant 0 : i32
        %dma_wait3A_123 = tpu.memref_slice %arg11[%add3A_19, %dma_wait3A_122] : memref<10112x128xf32, #tpu.memory_space<vmem_shared>> -> memref<80x128xf32, #tpu.memory_space<vmem_shared>>
        tpu.wait_dma2 semaphore(%run_scoped3A : memref<!tpu.dma_semaphore, #tpu.memory_space<semaphore_mem>>) src(%arg9 : memref<80x128xf32, #tpu.memory_space<vmem>>) dst(%dma_wait3A_123 : memref<80x128xf32, #tpu.memory_space<vmem_shared>>)
        tpu.yield
      }) : () -> ()
      %add3A_20 = arith.constant 240 : i32
      %add3A_21 = arith.addi %mul3A_0, %add3A_20 : i32
      "tpu.region"() ({
        %run_scoped3A = tpu.sem_alloc : memref<!tpu.dma_semaphore, #tpu.memory_space<semaphore_mem>>
        %dma_start3A_116 = arith.constant 0 : i32
        %dma_start3A_117 = tpu.memref_slice %arg11[%add3A_21, %dma_start3A_116] : memref<10112x128xf32, #tpu.memory_space<vmem_shared>> -> memref<80x128xf32, #tpu.memory_space<vmem_shared>>
        %dma_start3A_118 = arith.constant 0 : i32
        %dma_start3A_119 = tpu.memref_slice %arg11[%add3A_21, %dma_start3A_118] : memref<10112x128xf32, #tpu.memory_space<vmem_shared>> -> memref<80x128xf32, #tpu.memory_space<vmem_shared>>
        tpu.enqueue_dma source(%arg9 : memref<80x128xf32, #tpu.memory_space<vmem>>) target(%dma_start3A_119 : memref<80x128xf32, #tpu.memory_space<vmem_shared>>) target_semaphore(%run_scoped3A : memref<!tpu.dma_semaphore, #tpu.memory_space<semaphore_mem>>)
        %dma_wait3A_120 = arith.constant 0 : i32
        %dma_wait3A_121 = tpu.memref_slice %arg11[%add3A_21, %dma_wait3A_120] : memref<10112x128xf32, #tpu.memory_space<vmem_shared>> -> memref<80x128xf32, #tpu.memory_space<vmem_shared>>
        %dma_wait3A_122 = arith.constant 0 : i32
        %dma_wait3A_123 = tpu.memref_slice %arg11[%add3A_21, %dma_wait3A_122] : memref<10112x128xf32, #tpu.memory_space<vmem_shared>> -> memref<80x128xf32, #tpu.memory_space<vmem_shared>>
        tpu.wait_dma2 semaphore(%run_scoped3A : memref<!tpu.dma_semaphore, #tpu.memory_space<semaphore_mem>>) src(%arg9 : memref<80x128xf32, #tpu.memory_space<vmem>>) dst(%dma_wait3A_123 : memref<80x128xf32, #tpu.memory_space<vmem_shared>>)
        tpu.yield
      }) : () -> ()
      %add3A_22 = arith.constant 320 : i32
      %add3A_23 = arith.addi %mul3A_0, %add3A_22 : i32
      "tpu.region"() ({
        %run_scoped3A = tpu.sem_alloc : memref<!tpu.dma_semaphore, #tpu.memory_space<semaphore_mem>>
        %dma_start3A_116 = arith.constant 0 : i32
        %dma_start3A_117 = tpu.memref_slice %arg11[%add3A_23, %dma_start3A_116] : memref<10112x128xf32, #tpu.memory_space<vmem_shared>> -> memref<80x128xf32, #tpu.memory_space<vmem_shared>>
        %dma_start3A_118 = arith.constant 0 : i32
        %dma_start3A_119 = tpu.memref_slice %arg11[%add3A_23, %dma_start3A_118] : memref<10112x128xf32, #tpu.memory_space<vmem_shared>> -> memref<80x128xf32, #tpu.memory_space<vmem_shared>>
        tpu.enqueue_dma source(%arg9 : memref<80x128xf32, #tpu.memory_space<vmem>>) target(%dma_start3A_119 : memref<80x128xf32, #tpu.memory_space<vmem_shared>>) target_semaphore(%run_scoped3A : memref<!tpu.dma_semaphore, #tpu.memory_space<semaphore_mem>>)
        %dma_wait3A_120 = arith.constant 0 : i32
        %dma_wait3A_121 = tpu.memref_slice %arg11[%add3A_23, %dma_wait3A_120] : memref<10112x128xf32, #tpu.memory_space<vmem_shared>> -> memref<80x128xf32, #tpu.memory_space<vmem_shared>>
        %dma_wait3A_122 = arith.constant 0 : i32
        %dma_wait3A_123 = tpu.memref_slice %arg11[%add3A_23, %dma_wait3A_122] : memref<10112x128xf32, #tpu.memory_space<vmem_shared>> -> memref<80x128xf32, #tpu.memory_space<vmem_shared>>
        tpu.wait_dma2 semaphore(%run_scoped3A : memref<!tpu.dma_semaphore, #tpu.memory_space<semaphore_mem>>) src(%arg9 : memref<80x128xf32, #tpu.memory_space<vmem>>) dst(%dma_wait3A_123 : memref<80x128xf32, #tpu.memory_space<vmem_shared>>)
        tpu.yield
      }) : () -> ()
      %add3A_24 = arith.constant 400 : i32
      %add3A_25 = arith.addi %mul3A_0, %add3A_24 : i32
      "tpu.region"() ({
        %run_scoped3A = tpu.sem_alloc : memref<!tpu.dma_semaphore, #tpu.memory_space<semaphore_mem>>
        %dma_start3A_116 = arith.constant 0 : i32
        %dma_start3A_117 = tpu.memref_slice %arg11[%add3A_25, %dma_start3A_116] : memref<10112x128xf32, #tpu.memory_space<vmem_shared>> -> memref<80x128xf32, #tpu.memory_space<vmem_shared>>
        %dma_start3A_118 = arith.constant 0 : i32
        %dma_start3A_119 = tpu.memref_slice %arg11[%add3A_25, %dma_start3A_118] : memref<10112x128xf32, #tpu.memory_space<vmem_shared>> -> memref<80x128xf32, #tpu.memory_space<vmem_shared>>
        tpu.enqueue_dma source(%arg9 : memref<80x128xf32, #tpu.memory_space<vmem>>) target(%dma_start3A_119 : memref<80x128xf32, #tpu.memory_space<vmem_shared>>) target_semaphore(%run_scoped3A : memref<!tpu.dma_semaphore, #tpu.memory_space<semaphore_mem>>)
        %dma_wait3A_120 = arith.constant 0 : i32
        %dma_wait3A_121 = tpu.memref_slice %arg11[%add3A_25, %dma_wait3A_120] : memref<10112x128xf32, #tpu.memory_space<vmem_shared>> -> memref<80x128xf32, #tpu.memory_space<vmem_shared>>
        %dma_wait3A_122 = arith.constant 0 : i32
        %dma_wait3A_123 = tpu.memref_slice %arg11[%add3A_25, %dma_wait3A_122] : memref<10112x128xf32, #tpu.memory_space<vmem_shared>> -> memref<80x128xf32, #tpu.memory_space<vmem_shared>>
        tpu.wait_dma2 semaphore(%run_scoped3A : memref<!tpu.dma_semaphore, #tpu.memory_space<semaphore_mem>>) src(%arg9 : memref<80x128xf32, #tpu.memory_space<vmem>>) dst(%dma_wait3A_123 : memref<80x128xf32, #tpu.memory_space<vmem_shared>>)
        tpu.yield
      }) : () -> ()
      %add3A_26 = arith.constant 480 : i32
      %add3A_27 = arith.addi %mul3A_0, %add3A_26 : i32
      "tpu.region"() ({
        %run_scoped3A = tpu.sem_alloc : memref<!tpu.dma_semaphore, #tpu.memory_space<semaphore_mem>>
        %dma_start3A_116 = arith.constant 0 : i32
        %dma_start3A_117 = tpu.memref_slice %arg11[%add3A_27, %dma_start3A_116] : memref<10112x128xf32, #tpu.memory_space<vmem_shared>> -> memref<80x128xf32, #tpu.memory_space<vmem_shared>>
        %dma_start3A_118 = arith.constant 0 : i32
        %dma_start3A_119 = tpu.memref_slice %arg11[%add3A_27, %dma_start3A_118] : memref<10112x128xf32, #tpu.memory_space<vmem_shared>> -> memref<80x128xf32, #tpu.memory_space<vmem_shared>>
        tpu.enqueue_dma source(%arg9 : memref<80x128xf32, #tpu.memory_space<vmem>>) target(%dma_start3A_119 : memref<80x128xf32, #tpu.memory_space<vmem_shared>>) target_semaphore(%run_scoped3A : memref<!tpu.dma_semaphore, #tpu.memory_space<semaphore_mem>>)
        %dma_wait3A_120 = arith.constant 0 : i32
        %dma_wait3A_121 = tpu.memref_slice %arg11[%add3A_27, %dma_wait3A_120] : memref<10112x128xf32, #tpu.memory_space<vmem_shared>> -> memref<80x128xf32, #tpu.memory_space<vmem_shared>>
        %dma_wait3A_122 = arith.constant 0 : i32
        %dma_wait3A_123 = tpu.memref_slice %arg11[%add3A_27, %dma_wait3A_122] : memref<10112x128xf32, #tpu.memory_space<vmem_shared>> -> memref<80x128xf32, #tpu.memory_space<vmem_shared>>
        tpu.wait_dma2 semaphore(%run_scoped3A : memref<!tpu.dma_semaphore, #tpu.memory_space<semaphore_mem>>) src(%arg9 : memref<80x128xf32, #tpu.memory_space<vmem>>) dst(%dma_wait3A_123 : memref<80x128xf32, #tpu.memory_space<vmem_shared>>)
        tpu.yield
      }) : () -> ()
      %add3A_28 = arith.constant 560 : i32
      %add3A_29 = arith.addi %mul3A_0, %add3A_28 : i32
      "tpu.region"() ({
        %run_scoped3A = tpu.sem_alloc : memref<!tpu.dma_semaphore, #tpu.memory_space<semaphore_mem>>
        %dma_start3A_116 = arith.constant 0 : i32
        %dma_start3A_117 = arith.constant 0 : i32
        %dma_start3A_118 = tpu.memref_slice %arg9[%dma_start3A_116, %dma_start3A_117] : memref<80x128xf32, #tpu.memory_space<vmem>> -> memref<72x128xf32, #tpu.memory_space<vmem>>
        %dma_start3A_119 = arith.constant 0 : i32
        %dma_start3A_120 = tpu.memref_slice %arg11[%add3A_29, %dma_start3A_119] : memref<10112x128xf32, #tpu.memory_space<vmem_shared>> -> memref<72x128xf32, #tpu.memory_space<vmem_shared>>
        %dma_start3A_121 = arith.constant 0 : i32
        %dma_start3A_122 = tpu.memref_slice %arg11[%add3A_29, %dma_start3A_121] : memref<10112x128xf32, #tpu.memory_space<vmem_shared>> -> memref<72x128xf32, #tpu.memory_space<vmem_shared>>
        %dma_start3A_123 = arith.constant 0 : i32
        %dma_start3A_124 = arith.constant 0 : i32
        %dma_start3A_125 = tpu.memref_slice %arg9[%dma_start3A_123, %dma_start3A_124] : memref<80x128xf32, #tpu.memory_space<vmem>> -> memref<72x128xf32, #tpu.memory_space<vmem>>
        tpu.enqueue_dma source(%dma_start3A_125 : memref<72x128xf32, #tpu.memory_space<vmem>>) target(%dma_start3A_122 : memref<72x128xf32, #tpu.memory_space<vmem_shared>>) target_semaphore(%run_scoped3A : memref<!tpu.dma_semaphore, #tpu.memory_space<semaphore_mem>>)
        %dma_wait3A_126 = arith.constant 0 : i32
        %dma_wait3A_127 = arith.constant 0 : i32
        %dma_wait3A_128 = tpu.memref_slice %arg9[%dma_wait3A_126, %dma_wait3A_127] : memref<80x128xf32, #tpu.memory_space<vmem>> -> memref<72x128xf32, #tpu.memory_space<vmem>>
        %dma_wait3A_129 = arith.constant 0 : i32
        %dma_wait3A_130 = tpu.memref_slice %arg11[%add3A_29, %dma_wait3A_129] : memref<10112x128xf32, #tpu.memory_space<vmem_shared>> -> memref<72x128xf32, #tpu.memory_space<vmem_shared>>
        %dma_wait3A_131 = arith.constant 0 : i32
        %dma_wait3A_132 = tpu.memref_slice %arg11[%add3A_29, %dma_wait3A_131] : memref<10112x128xf32, #tpu.memory_space<vmem_shared>> -> memref<72x128xf32, #tpu.memory_space<vmem_shared>>
        %dma_wait3A_133 = arith.constant 0 : i32
        %dma_wait3A_134 = arith.constant 0 : i32
        %dma_wait3A_135 = tpu.memref_slice %arg9[%dma_wait3A_133, %dma_wait3A_134] : memref<80x128xf32, #tpu.memory_space<vmem>> -> memref<72x128xf32, #tpu.memory_space<vmem>>
        tpu.wait_dma2 semaphore(%run_scoped3A : memref<!tpu.dma_semaphore, #tpu.memory_space<semaphore_mem>>) src(%dma_wait3A_135 : memref<72x128xf32, #tpu.memory_space<vmem>>) dst(%dma_wait3A_132 : memref<72x128xf32, #tpu.memory_space<vmem_shared>>)
        tpu.yield
      }) : () -> ()
      %broadcast_in_dim3A_30 = arith.constant 1.000000e+00 : f32
      %broadcast_in_dim3A_31 = vector.broadcast %broadcast_in_dim3A_30 : f32 to vector<16xf32>
      %scan3A_32 = arith.constant 0 : i32
      %scan3A_33 = arith.constant 0 : i32
      %scan3A_34 = arith.constant 80 : i32
      %scan3A_35 = arith.addi %scan3A_33, %scan3A_34 : i32
      %scan3A_36 = arith.constant 1 : i32
      %scan3A_37 = scf.for %scan3A_116 = %scan3A_33 to %scan3A_35 step %scan3A_36 iter_args(%scan3A_117 = %scan3A_32) -> (i32)  : i32 {
        %swap3A = arith.index_cast %scan3A_116 : i32 to index
        %swap3A_118 = arith.constant 0 : index
        %swap3A_119 = tpu.vector_load %arg9[%swap3A, %swap3A_118] {strides = array<i32>} : memref<80x128xf32, #tpu.memory_space<vmem>>, vector<1x16xf32>,
        %swap3A_120 = vector.shape_cast %swap3A_119 : vector<1x16xf32> to vector<16xf32>
        %swap3A_121 = vector.shape_cast %broadcast_in_dim3A_31 : vector<16xf32> to vector<1x16xf32>
        tpu.vector_store %arg9[%swap3A, %swap3A_118], %swap3A_121 {strides = array<i32>} : memref<80x128xf32, #tpu.memory_space<vmem>>, vector<1x16xf32>,
        %swap3A_122 = arith.index_cast %scan3A_116 : i32 to index
        %swap3A_123 = arith.constant 16 : index
        %swap3A_124 = tpu.vector_load %arg9[%swap3A_122, %swap3A_123] {strides = array<i32>} : memref<80x128xf32, #tpu.memory_space<vmem>>, vector<1x16xf32>,
        %swap3A_125 = vector.shape_cast %swap3A_124 : vector<1x16xf32> to vector<16xf32>
        %swap3A_126 = vector.shape_cast %broadcast_in_dim3A_31 : vector<16xf32> to vector<1x16xf32>
        tpu.vector_store %arg9[%swap3A_122, %swap3A_123], %swap3A_126 {strides = array<i32>} : memref<80x128xf32, #tpu.memory_space<vmem>>, vector<1x16xf32>,
        %swap3A_127 = arith.index_cast %scan3A_116 : i32 to index
        %swap3A_128 = arith.constant 32 : index
        %swap3A_129 = tpu.vector_load %arg9[%swap3A_127, %swap3A_128] {strides = array<i32>} : memref<80x128xf32, #tpu.memory_space<vmem>>, vector<1x16xf32>,
        %swap3A_130 = vector.shape_cast %swap3A_129 : vector<1x16xf32> to vector<16xf32>
        %swap3A_131 = vector.shape_cast %broadcast_in_dim3A_31 : vector<16xf32> to vector<1x16xf32>
        tpu.vector_store %arg9[%swap3A_127, %swap3A_128], %swap3A_131 {strides = array<i32>} : memref<80x128xf32, #tpu.memory_space<vmem>>, vector<1x16xf32>,
        %swap3A_132 = arith.index_cast %scan3A_116 : i32 to index
        %swap3A_133 = arith.constant 48 : index
        %swap3A_134 = tpu.vector_load %arg9[%swap3A_132, %swap3A_133] {strides = array<i32>} : memref<80x128xf32, #tpu.memory_space<vmem>>, vector<1x16xf32>,
        %swap3A_135 = vector.shape_cast %swap3A_134 : vector<1x16xf32> to vector<16xf32>
        %swap3A_136 = vector.shape_cast %broadcast_in_dim3A_31 : vector<16xf32> to vector<1x16xf32>
        tpu.vector_store %arg9[%swap3A_132, %swap3A_133], %swap3A_136 {strides = array<i32>} : memref<80x128xf32, #tpu.memory_space<vmem>>, vector<1x16xf32>,
        %swap3A_137 = arith.index_cast %scan3A_116 : i32 to index
        %swap3A_138 = arith.constant 64 : index
        %swap3A_139 = tpu.vector_load %arg9[%swap3A_137, %swap3A_138] {strides = array<i32>} : memref<80x128xf32, #tpu.memory_space<vmem>>, vector<1x16xf32>,
        %swap3A_140 = vector.shape_cast %swap3A_139 : vector<1x16xf32> to vector<16xf32>
        %swap3A_141 = vector.shape_cast %broadcast_in_dim3A_31 : vector<16xf32> to vector<1x16xf32>
        tpu.vector_store %arg9[%swap3A_137, %swap3A_138], %swap3A_141 {strides = array<i32>} : memref<80x128xf32, #tpu.memory_space<vmem>>, vector<1x16xf32>,
        %swap3A_142 = arith.index_cast %scan3A_116 : i32 to index
        %swap3A_143 = arith.constant 80 : index
        %swap3A_144 = tpu.vector_load %arg9[%swap3A_142, %swap3A_143] {strides = array<i32>} : memref<80x128xf32, #tpu.memory_space<vmem>>, vector<1x16xf32>,
        %swap3A_145 = vector.shape_cast %swap3A_144 : vector<1x16xf32> to vector<16xf32>
        %swap3A_146 = vector.shape_cast %broadcast_in_dim3A_31 : vector<16xf32> to vector<1x16xf32>
        tpu.vector_store %arg9[%swap3A_142, %swap3A_143], %swap3A_146 {strides = array<i32>} : memref<80x128xf32, #tpu.memory_space<vmem>>, vector<1x16xf32>,
        %swap3A_147 = arith.index_cast %scan3A_116 : i32 to index
        %swap3A_148 = arith.constant 96 : index
        %swap3A_149 = tpu.vector_load %arg9[%swap3A_147, %swap3A_148] {strides = array<i32>} : memref<80x128xf32, #tpu.memory_space<vmem>>, vector<1x16xf32>,
        %swap3A_150 = vector.shape_cast %swap3A_149 : vector<1x16xf32> to vector<16xf32>
        %swap3A_151 = vector.shape_cast %broadcast_in_dim3A_31 : vector<16xf32> to vector<1x16xf32>
        tpu.vector_store %arg9[%swap3A_147, %swap3A_148], %swap3A_151 {strides = array<i32>} : memref<80x128xf32, #tpu.memory_space<vmem>>, vector<1x16xf32>,
        %swap3A_152 = arith.index_cast %scan3A_116 : i32 to index
        %swap3A_153 = arith.constant 112 : index
        %swap3A_154 = tpu.vector_load %arg9[%swap3A_152, %swap3A_153] {strides = array<i32>} : memref<80x128xf32, #tpu.memory_space<vmem>>, vector<1x16xf32>,
        %swap3A_155 = vector.shape_cast %swap3A_154 : vector<1x16xf32> to vector<16xf32>
        %swap3A_156 = vector.shape_cast %broadcast_in_dim3A_31 : vector<16xf32> to vector<1x16xf32>
        tpu.vector_store %arg9[%swap3A_152, %swap3A_153], %swap3A_156 {strides = array<i32>} : memref<80x128xf32, #tpu.memory_space<vmem>>, vector<1x16xf32>,
        %scan3A_157 = arith.constant 0 : i32
        scf.yield %scan3A_157 : i32
      }
      %scan3A_38 = arith.constant 80 : i32
      %barrier3A = arith.constant 0 : index
      tpu.barrier barrier_id(%barrier3A)
      %mul3A_39 = arith.constant 2 : i32
      %mul3A_40 = arith.muli %mul3A_39, %arg1 : i32
      %add3A_41 = arith.constant 0 : i32
      %add3A_42 = arith.addi %mul3A_40, %add3A_41 : i32
      "tpu.region"() ({
        %run_scoped3A = tpu.sem_alloc : memref<!tpu.dma_semaphore, #tpu.memory_space<semaphore_mem>>
        %dma_start3A_116 = arith.constant 0 : i32
        %dma_start3A_117 = arith.constant 0 : i32
        %dma_start3A_118 = tpu.memref_slice %arg4[%add3A_42, %dma_start3A_116, %dma_start3A_117] : memref<32x125x80xi32, #tpu.memory_space<hbm>> -> memref<1x125x80xi32, #tpu.memory_space<hbm>>
        %dma_start3A_119 = tpu.memref_squeeze %dma_start3A_118 : memref<1x125x80xi32, #tpu.memory_space<hbm>> -> memref<125x80xi32, #tpu.memory_space<hbm>>
        %dma_start3A_120 = arith.constant 0 : i32
        %dma_start3A_121 = arith.constant 0 : i32
        %dma_start3A_122 = tpu.memref_slice %arg4[%add3A_42, %dma_start3A_120, %dma_start3A_121] : memref<32x125x80xi32, #tpu.memory_space<hbm>> -> memref<1x125x80xi32, #tpu.memory_space<hbm>>
        %dma_start3A_123 = tpu.memref_squeeze %dma_start3A_122 : memref<1x125x80xi32, #tpu.memory_space<hbm>> -> memref<125x80xi32, #tpu.memory_space<hbm>>
        tpu.enqueue_dma source(%dma_start3A_123 : memref<125x80xi32, #tpu.memory_space<hbm>>) target(%arg8 : memref<125x80xi32, #tpu.memory_space<vmem>>) target_semaphore(%run_scoped3A : memref<!tpu.dma_semaphore, #tpu.memory_space<semaphore_mem>>)
        %dma_wait3A_124 = arith.constant 0 : i32
        %dma_wait3A_125 = arith.constant 0 : i32
        %dma_wait3A_126 = tpu.memref_slice %arg4[%add3A_42, %dma_wait3A_124, %dma_wait3A_125] : memref<32x125x80xi32, #tpu.memory_space<hbm>> -> memref<1x125x80xi32, #tpu.memory_space<hbm>>
        %dma_wait3A_127 = tpu.memref_squeeze %dma_wait3A_126 : memref<1x125x80xi32, #tpu.memory_space<hbm>> -> memref<125x80xi32, #tpu.memory_space<hbm>>
        %dma_wait3A_128 = arith.constant 0 : i32
        %dma_wait3A_129 = arith.constant 0 : i32
        %dma_wait3A_130 = tpu.memref_slice %arg4[%add3A_42, %dma_wait3A_128, %dma_wait3A_129] : memref<32x125x80xi32, #tpu.memory_space<hbm>> -> memref<1x125x80xi32, #tpu.memory_space<hbm>>
        %dma_wait3A_131 = tpu.memref_squeeze %dma_wait3A_130 : memref<1x125x80xi32, #tpu.memory_space<hbm>> -> memref<125x80xi32, #tpu.memory_space<hbm>>
        tpu.wait_dma2 semaphore(%run_scoped3A : memref<!tpu.dma_semaphore, #tpu.memory_space<semaphore_mem>>) src(%dma_wait3A_131 : memref<125x80xi32, #tpu.memory_space<hbm>>) dst(%arg8 : memref<125x80xi32, #tpu.memory_space<vmem>>)
        tpu.yield
      }) : () -> ()
      %scan3A_43 = arith.constant 0 : i32
      %scan3A_44 = arith.constant 0 : i32
      %scan3A_45 = arith.constant 62 : i32
      %scan3A_46 = arith.addi %scan3A_44, %scan3A_45 : i32
      %scan3A_47 = arith.constant 1 : i32
      %scan3A_48 = scf.for %scan3A_116 = %scan3A_44 to %scan3A_46 step %scan3A_47 iter_args(%scan3A_117 = %scan3A_43) -> (i32)  : i32 {
        %mul3A_118 = arith.constant 2 : i32
        %mul3A_119 = arith.muli %mul3A_118, %scan3A_116 : i32
        %add3A_120 = arith.constant 0 : i32
        %add3A_121 = arith.addi %mul3A_119, %add3A_120 : i32
        %ge3A = arith.constant 2 : i32
        %ge3A_122 = arith.cmpi sge, %add3A_121, %ge3A : i32
        %convert_element_type3A_123 = arith.extui %ge3A_122 : i1 to i32
        %cond3A_124 = arith.constant 0 : i32
        %cond3A_125 = arith.cmpi ne, %convert_element_type3A_123, %cond3A_124 : i32
        scf.if %cond3A_125 {
          %dma_wait3A_148 = arith.constant 0 : i32
          %dma_wait3A_149 = arith.constant 0 : i32
          %dma_wait3A_150 = tpu.memref_slice %arg8[%dma_wait3A_148, %dma_wait3A_149] : memref<125x80xi32, #tpu.memory_space<vmem>> -> memref<1x80xi32, #tpu.memory_space<vmem>>
          %dma_wait3A_151 = tpu.memref_squeeze %dma_wait3A_150 : memref<1x80xi32, #tpu.memory_space<vmem>> -> memref<80xi32, #tpu.memory_space<vmem>>
          %dma_wait3A_152 = arith.constant 0 : i32
          %dma_wait3A_153 = arith.constant 0 : i32
          %dma_wait3A_154 = tpu.memref_slice %arg11[%dma_wait3A_152, %dma_wait3A_153] : memref<10112x128xf32, #tpu.memory_space<vmem_shared>> -> memref<10112x128xf32, #tpu.memory_space<vmem_shared>>
          tpu.wait_indirect_dma semaphore(%arg14 : memref<!tpu.dma_semaphore, #tpu.memory_space<semaphore_mem>>) src(%arg9 : memref<80x128xf32, #tpu.memory_space<vmem>>) dst(%dma_wait3A_154 : memref<10112x128xf32, #tpu.memory_space<vmem_shared>>)
        } else {
        }
        %dma_start3A_126 = arith.constant 0 : i32
        %dma_start3A_127 = tpu.memref_slice %arg8[%add3A_121, %dma_start3A_126] : memref<125x80xi32, #tpu.memory_space<vmem>> -> memref<1x80xi32, #tpu.memory_space<vmem>>
        %dma_start3A_128 = tpu.memref_squeeze %dma_start3A_127 : memref<1x80xi32, #tpu.memory_space<vmem>> -> memref<80xi32, #tpu.memory_space<vmem>>
        %dma_start3A_129 = arith.constant 0 : i32
        %dma_start3A_130 = arith.constant 0 : i32
        %dma_start3A_131 = tpu.memref_slice %arg11[%dma_start3A_129, %dma_start3A_130] : memref<10112x128xf32, #tpu.memory_space<vmem_shared>> -> memref<10112x128xf32, #tpu.memory_space<vmem_shared>>
        tpu.enqueue_indirect_dma source(%arg9 : memref<80x128xf32, #tpu.memory_space<vmem>>) target(%dma_start3A_131 : memref<10112x128xf32, #tpu.memory_space<vmem_shared>>) offsets(%dma_start3A_128 : memref<80xi32, #tpu.memory_space<vmem>>) semaphore(%arg14 : memref<!tpu.dma_semaphore, #tpu.memory_space<semaphore_mem>>) {add = true}
        %mul3A_132 = arith.constant 2 : i32
        %mul3A_133 = arith.muli %mul3A_132, %scan3A_116 : i32
        %add3A_134 = arith.constant 1 : i32
        %add3A_135 = arith.addi %mul3A_133, %add3A_134 : i32
        %ge3A_136 = arith.constant 2 : i32
        %ge3A_137 = arith.cmpi sge, %add3A_135, %ge3A_136 : i32
        %convert_element_type3A_138 = arith.extui %ge3A_137 : i1 to i32
        %cond3A_139 = arith.constant 0 : i32
        %cond3A_140 = arith.cmpi ne, %convert_element_type3A_138, %cond3A_139 : i32
        scf.if %cond3A_140 {
          %dma_wait3A_148 = arith.constant 0 : i32
          %dma_wait3A_149 = arith.constant 0 : i32
          %dma_wait3A_150 = tpu.memref_slice %arg8[%dma_wait3A_148, %dma_wait3A_149] : memref<125x80xi32, #tpu.memory_space<vmem>> -> memref<1x80xi32, #tpu.memory_space<vmem>>
          %dma_wait3A_151 = tpu.memref_squeeze %dma_wait3A_150 : memref<1x80xi32, #tpu.memory_space<vmem>> -> memref<80xi32, #tpu.memory_space<vmem>>
          %dma_wait3A_152 = arith.constant 0 : i32
          %dma_wait3A_153 = arith.constant 0 : i32
          %dma_wait3A_154 = tpu.memref_slice %arg11[%dma_wait3A_152, %dma_wait3A_153] : memref<10112x128xf32, #tpu.memory_space<vmem_shared>> -> memref<10112x128xf32, #tpu.memory_space<vmem_shared>>
          tpu.wait_indirect_dma semaphore(%arg15 : memref<!tpu.dma_semaphore, #tpu.memory_space<semaphore_mem>>) src(%arg9 : memref<80x128xf32, #tpu.memory_space<vmem>>) dst(%dma_wait3A_154 : memref<10112x128xf32, #tpu.memory_space<vmem_shared>>)
        } else {
        }
        %dma_start3A_141 = arith.constant 0 : i32
        %dma_start3A_142 = tpu.memref_slice %arg8[%add3A_135, %dma_start3A_141] : memref<125x80xi32, #tpu.memory_space<vmem>> -> memref<1x80xi32, #tpu.memory_space<vmem>>
        %dma_start3A_143 = tpu.memref_squeeze %dma_start3A_142 : memref<1x80xi32, #tpu.memory_space<vmem>> -> memref<80xi32, #tpu.memory_space<vmem>>
        %dma_start3A_144 = arith.constant 0 : i32
        %dma_start3A_145 = arith.constant 0 : i32
        %dma_start3A_146 = tpu.memref_slice %arg11[%dma_start3A_144, %dma_start3A_145] : memref<10112x128xf32, #tpu.memory_space<vmem_shared>> -> memref<10112x128xf32, #tpu.memory_space<vmem_shared>>
        tpu.enqueue_indirect_dma source(%arg9 : memref<80x128xf32, #tpu.memory_space<vmem>>) target(%dma_start3A_146 : memref<10112x128xf32, #tpu.memory_space<vmem_shared>>) offsets(%dma_start3A_143 : memref<80xi32, #tpu.memory_space<vmem>>) semaphore(%arg15 : memref<!tpu.dma_semaphore, #tpu.memory_space<semaphore_mem>>) {add = true}
        %scan3A_147 = arith.constant 0 : i32
        scf.yield %scan3A_147 : i32
      }
      %scan3A_49 = arith.constant 62 : i32
      %dma_wait3A = arith.constant 0 : i32
      %dma_wait3A_50 = arith.constant 0 : i32
      %dma_wait3A_51 = tpu.memref_slice %arg8[%dma_wait3A, %dma_wait3A_50] : memref<125x80xi32, #tpu.memory_space<vmem>> -> memref<1x80xi32, #tpu.memory_space<vmem>>
      %dma_wait3A_52 = tpu.memref_squeeze %dma_wait3A_51 : memref<1x80xi32, #tpu.memory_space<vmem>> -> memref<80xi32, #tpu.memory_space<vmem>>
      %dma_wait3A_53 = arith.constant 0 : i32
      %dma_wait3A_54 = arith.constant 0 : i32
      %dma_wait3A_55 = tpu.memref_slice %arg11[%dma_wait3A_53, %dma_wait3A_54] : memref<10112x128xf32, #tpu.memory_space<vmem_shared>> -> memref<10112x128xf32, #tpu.memory_space<vmem_shared>>
      tpu.wait_indirect_dma semaphore(%arg14 : memref<!tpu.dma_semaphore, #tpu.memory_space<semaphore_mem>>) src(%arg9 : memref<80x128xf32, #tpu.memory_space<vmem>>) dst(%dma_wait3A_55 : memref<10112x128xf32, #tpu.memory_space<vmem_shared>>)
      %dma_start3A = arith.constant 124 : i32
      %dma_start3A_56 = arith.constant 0 : i32
      %dma_start3A_57 = tpu.memref_slice %arg8[%dma_start3A, %dma_start3A_56] : memref<125x80xi32, #tpu.memory_space<vmem>> -> memref<1x80xi32, #tpu.memory_space<vmem>>
      %dma_start3A_58 = tpu.memref_squeeze %dma_start3A_57 : memref<1x80xi32, #tpu.memory_space<vmem>> -> memref<80xi32, #tpu.memory_space<vmem>>
      %dma_start3A_59 = arith.constant 0 : i32
      %dma_start3A_60 = arith.constant 0 : i32
      %dma_start3A_61 = tpu.memref_slice %arg11[%dma_start3A_59, %dma_start3A_60] : memref<10112x128xf32, #tpu.memory_space<vmem_shared>> -> memref<10112x128xf32, #tpu.memory_space<vmem_shared>>
      tpu.enqueue_indirect_dma source(%arg9 : memref<80x128xf32, #tpu.memory_space<vmem>>) target(%dma_start3A_61 : memref<10112x128xf32, #tpu.memory_space<vmem_shared>>) offsets(%dma_start3A_58 : memref<80xi32, #tpu.memory_space<vmem>>) semaphore(%arg14 : memref<!tpu.dma_semaphore, #tpu.memory_space<semaphore_mem>>) {add = true}
      %dma_wait3A_62 = arith.constant 0 : i32
      %dma_wait3A_63 = arith.constant 0 : i32
      %dma_wait3A_64 = tpu.memref_slice %arg8[%dma_wait3A_62, %dma_wait3A_63] : memref<125x80xi32, #tpu.memory_space<vmem>> -> memref<1x80xi32, #tpu.memory_space<vmem>>
      %dma_wait3A_65 = tpu.memref_squeeze %dma_wait3A_64 : memref<1x80xi32, #tpu.memory_space<vmem>> -> memref<80xi32, #tpu.memory_space<vmem>>
      %dma_wait3A_66 = arith.constant 0 : i32
      %dma_wait3A_67 = arith.constant 0 : i32
      %dma_wait3A_68 = tpu.memref_slice %arg11[%dma_wait3A_66, %dma_wait3A_67] : memref<10112x128xf32, #tpu.memory_space<vmem_shared>> -> memref<10112x128xf32, #tpu.memory_space<vmem_shared>>
      tpu.wait_indirect_dma semaphore(%arg15 : memref<!tpu.dma_semaphore, #tpu.memory_space<semaphore_mem>>) src(%arg9 : memref<80x128xf32, #tpu.memory_space<vmem>>) dst(%dma_wait3A_68 : memref<10112x128xf32, #tpu.memory_space<vmem_shared>>)
      %dma_wait3A_69 = arith.constant 0 : i32
      %dma_wait3A_70 = arith.constant 0 : i32
      %dma_wait3A_71 = tpu.memref_slice %arg8[%dma_wait3A_69, %dma_wait3A_70] : memref<125x80xi32, #tpu.memory_space<vmem>> -> memref<1x80xi32, #tpu.memory_space<vmem>>
      %dma_wait3A_72 = tpu.memref_squeeze %dma_wait3A_71 : memref<1x80xi32, #tpu.memory_space<vmem>> -> memref<80xi32, #tpu.memory_space<vmem>>
      %dma_wait3A_73 = arith.constant 0 : i32
      %dma_wait3A_74 = arith.constant 0 : i32
      %dma_wait3A_75 = tpu.memref_slice %arg11[%dma_wait3A_73, %dma_wait3A_74] : memref<10112x128xf32, #tpu.memory_space<vmem_shared>> -> memref<10112x128xf32, #tpu.memory_space<vmem_shared>>
      tpu.wait_indirect_dma semaphore(%arg14 : memref<!tpu.dma_semaphore, #tpu.memory_space<semaphore_mem>>) src(%arg9 : memref<80x128xf32, #tpu.memory_space<vmem>>) dst(%dma_wait3A_75 : memref<10112x128xf32, #tpu.memory_space<vmem_shared>>)
      %mul3A_76 = arith.constant 2 : i32
      %mul3A_77 = arith.muli %mul3A_76, %arg1 : i32
      %add3A_78 = arith.constant 1 : i32
      %add3A_79 = arith.addi %mul3A_77, %add3A_78 : i32
      "tpu.region"() ({
        %run_scoped3A = tpu.sem_alloc : memref<!tpu.dma_semaphore, #tpu.memory_space<semaphore_mem>>
        %dma_start3A_116 = arith.constant 0 : i32
        %dma_start3A_117 = arith.constant 0 : i32
        %dma_start3A_118 = tpu.memref_slice %arg4[%add3A_79, %dma_start3A_116, %dma_start3A_117] : memref<32x125x80xi32, #tpu.memory_space<hbm>> -> memref<1x125x80xi32, #tpu.memory_space<hbm>>
        %dma_start3A_119 = tpu.memref_squeeze %dma_start3A_118 : memref<1x125x80xi32, #tpu.memory_space<hbm>> -> memref<125x80xi32, #tpu.memory_space<hbm>>
        %dma_start3A_120 = arith.constant 0 : i32
        %dma_start3A_121 = arith.constant 0 : i32
        %dma_start3A_122 = tpu.memref_slice %arg4[%add3A_79, %dma_start3A_120, %dma_start3A_121] : memref<32x125x80xi32, #tpu.memory_space<hbm>> -> memref<1x125x80xi32, #tpu.memory_space<hbm>>
        %dma_start3A_123 = tpu.memref_squeeze %dma_start3A_122 : memref<1x125x80xi32, #tpu.memory_space<hbm>> -> memref<125x80xi32, #tpu.memory_space<hbm>>
        tpu.enqueue_dma source(%dma_start3A_123 : memref<125x80xi32, #tpu.memory_space<hbm>>) target(%arg8 : memref<125x80xi32, #tpu.memory_space<vmem>>) target_semaphore(%run_scoped3A : memref<!tpu.dma_semaphore, #tpu.memory_space<semaphore_mem>>)
        %dma_wait3A_124 = arith.constant 0 : i32
        %dma_wait3A_125 = arith.constant 0 : i32
        %dma_wait3A_126 = tpu.memref_slice %arg4[%add3A_79, %dma_wait3A_124, %dma_wait3A_125] : memref<32x125x80xi32, #tpu.memory_space<hbm>> -> memref<1x125x80xi32, #tpu.memory_space<hbm>>
        %dma_wait3A_127 = tpu.memref_squeeze %dma_wait3A_126 : memref<1x125x80xi32, #tpu.memory_space<hbm>> -> memref<125x80xi32, #tpu.memory_space<hbm>>
        %dma_wait3A_128 = arith.constant 0 : i32
        %dma_wait3A_129 = arith.constant 0 : i32
        %dma_wait3A_130 = tpu.memref_slice %arg4[%add3A_79, %dma_wait3A_128, %dma_wait3A_129] : memref<32x125x80xi32, #tpu.memory_space<hbm>> -> memref<1x125x80xi32, #tpu.memory_space<hbm>>
        %dma_wait3A_131 = tpu.memref_squeeze %dma_wait3A_130 : memref<1x125x80xi32, #tpu.memory_space<hbm>> -> memref<125x80xi32, #tpu.memory_space<hbm>>
        tpu.wait_dma2 semaphore(%run_scoped3A : memref<!tpu.dma_semaphore, #tpu.memory_space<semaphore_mem>>) src(%dma_wait3A_131 : memref<125x80xi32, #tpu.memory_space<hbm>>) dst(%arg8 : memref<125x80xi32, #tpu.memory_space<vmem>>)
        tpu.yield
      }) : () -> ()
      %scan3A_80 = arith.constant 0 : i32
      %scan3A_81 = arith.constant 0 : i32
      %scan3A_82 = arith.constant 62 : i32
      %scan3A_83 = arith.addi %scan3A_81, %scan3A_82 : i32
      %scan3A_84 = arith.constant 1 : i32
      %scan3A_85 = scf.for %scan3A_116 = %scan3A_81 to %scan3A_83 step %scan3A_84 iter_args(%scan3A_117 = %scan3A_80) -> (i32)  : i32 {
        %mul3A_118 = arith.constant 2 : i32
        %mul3A_119 = arith.muli %mul3A_118, %scan3A_116 : i32
        %add3A_120 = arith.constant 0 : i32
        %add3A_121 = arith.addi %mul3A_119, %add3A_120 : i32
        %ge3A = arith.constant 2 : i32
        %ge3A_122 = arith.cmpi sge, %add3A_121, %ge3A : i32
        %convert_element_type3A_123 = arith.extui %ge3A_122 : i1 to i32
        %cond3A_124 = arith.constant 0 : i32
        %cond3A_125 = arith.cmpi ne, %convert_element_type3A_123, %cond3A_124 : i32
        scf.if %cond3A_125 {
          %dma_wait3A_148 = arith.constant 0 : i32
          %dma_wait3A_149 = arith.constant 0 : i32
          %dma_wait3A_150 = tpu.memref_slice %arg8[%dma_wait3A_148, %dma_wait3A_149] : memref<125x80xi32, #tpu.memory_space<vmem>> -> memref<1x80xi32, #tpu.memory_space<vmem>>
          %dma_wait3A_151 = tpu.memref_squeeze %dma_wait3A_150 : memref<1x80xi32, #tpu.memory_space<vmem>> -> memref<80xi32, #tpu.memory_space<vmem>>
          %dma_wait3A_152 = arith.constant 0 : i32
          %dma_wait3A_153 = arith.constant 0 : i32
          %dma_wait3A_154 = tpu.memref_slice %arg11[%dma_wait3A_152, %dma_wait3A_153] : memref<10112x128xf32, #tpu.memory_space<vmem_shared>> -> memref<10112x128xf32, #tpu.memory_space<vmem_shared>>
          tpu.wait_indirect_dma semaphore(%arg14 : memref<!tpu.dma_semaphore, #tpu.memory_space<semaphore_mem>>) src(%arg9 : memref<80x128xf32, #tpu.memory_space<vmem>>) dst(%dma_wait3A_154 : memref<10112x128xf32, #tpu.memory_space<vmem_shared>>)
        } else {
        }
        %dma_start3A_126 = arith.constant 0 : i32
        %dma_start3A_127 = tpu.memref_slice %arg8[%add3A_121, %dma_start3A_126] : memref<125x80xi32, #tpu.memory_space<vmem>> -> memref<1x80xi32, #tpu.memory_space<vmem>>
        %dma_start3A_128 = tpu.memref_squeeze %dma_start3A_127 : memref<1x80xi32, #tpu.memory_space<vmem>> -> memref<80xi32, #tpu.memory_space<vmem>>
        %dma_start3A_129 = arith.constant 0 : i32
        %dma_start3A_130 = arith.constant 0 : i32
        %dma_start3A_131 = tpu.memref_slice %arg11[%dma_start3A_129, %dma_start3A_130] : memref<10112x128xf32, #tpu.memory_space<vmem_shared>> -> memref<10112x128xf32, #tpu.memory_space<vmem_shared>>
        tpu.enqueue_indirect_dma source(%arg9 : memref<80x128xf32, #tpu.memory_space<vmem>>) target(%dma_start3A_131 : memref<10112x128xf32, #tpu.memory_space<vmem_shared>>) offsets(%dma_start3A_128 : memref<80xi32, #tpu.memory_space<vmem>>) semaphore(%arg14 : memref<!tpu.dma_semaphore, #tpu.memory_space<semaphore_mem>>) {add = true}
        %mul3A_132 = arith.constant 2 : i32
        %mul3A_133 = arith.muli %mul3A_132, %scan3A_116 : i32
        %add3A_134 = arith.constant 1 : i32
        %add3A_135 = arith.addi %mul3A_133, %add3A_134 : i32
        %ge3A_136 = arith.constant 2 : i32
        %ge3A_137 = arith.cmpi sge, %add3A_135, %ge3A_136 : i32
        %convert_element_type3A_138 = arith.extui %ge3A_137 : i1 to i32
        %cond3A_139 = arith.constant 0 : i32
        %cond3A_140 = arith.cmpi ne, %convert_element_type3A_138, %cond3A_139 : i32
        scf.if %cond3A_140 {
          %dma_wait3A_148 = arith.constant 0 : i32
          %dma_wait3A_149 = arith.constant 0 : i32
          %dma_wait3A_150 = tpu.memref_slice %arg8[%dma_wait3A_148, %dma_wait3A_149] : memref<125x80xi32, #tpu.memory_space<vmem>> -> memref<1x80xi32, #tpu.memory_space<vmem>>
          %dma_wait3A_151 = tpu.memref_squeeze %dma_wait3A_150 : memref<1x80xi32, #tpu.memory_space<vmem>> -> memref<80xi32, #tpu.memory_space<vmem>>
          %dma_wait3A_152 = arith.constant 0 : i32
          %dma_wait3A_153 = arith.constant 0 : i32
          %dma_wait3A_154 = tpu.memref_slice %arg11[%dma_wait3A_152, %dma_wait3A_153] : memref<10112x128xf32, #tpu.memory_space<vmem_shared>> -> memref<10112x128xf32, #tpu.memory_space<vmem_shared>>
          tpu.wait_indirect_dma semaphore(%arg15 : memref<!tpu.dma_semaphore, #tpu.memory_space<semaphore_mem>>) src(%arg9 : memref<80x128xf32, #tpu.memory_space<vmem>>) dst(%dma_wait3A_154 : memref<10112x128xf32, #tpu.memory_space<vmem_shared>>)
        } else {
        }
        %dma_start3A_141 = arith.constant 0 : i32
        %dma_start3A_142 = tpu.memref_slice %arg8[%add3A_135, %dma_start3A_141] : memref<125x80xi32, #tpu.memory_space<vmem>> -> memref<1x80xi32, #tpu.memory_space<vmem>>
        %dma_start3A_143 = tpu.memref_squeeze %dma_start3A_142 : memref<1x80xi32, #tpu.memory_space<vmem>> -> memref<80xi32, #tpu.memory_space<vmem>>
        %dma_start3A_144 = arith.constant 0 : i32
        %dma_start3A_145 = arith.constant 0 : i32
        %dma_start3A_146 = tpu.memref_slice %arg11[%dma_start3A_144, %dma_start3A_145] : memref<10112x128xf32, #tpu.memory_space<vmem_shared>> -> memref<10112x128xf32, #tpu.memory_space<vmem_shared>>
        tpu.enqueue_indirect_dma source(%arg9 : memref<80x128xf32, #tpu.memory_space<vmem>>) target(%dma_start3A_146 : memref<10112x128xf32, #tpu.memory_space<vmem_shared>>) offsets(%dma_start3A_143 : memref<80xi32, #tpu.memory_space<vmem>>) semaphore(%arg15 : memref<!tpu.dma_semaphore, #tpu.memory_space<semaphore_mem>>) {add = true}
        %scan3A_147 = arith.constant 0 : i32
        scf.yield %scan3A_147 : i32
      }
      %scan3A_86 = arith.constant 62 : i32
      %dma_wait3A_87 = arith.constant 0 : i32
      %dma_wait3A_88 = arith.constant 0 : i32
      %dma_wait3A_89 = tpu.memref_slice %arg8[%dma_wait3A_87, %dma_wait3A_88] : memref<125x80xi32, #tpu.memory_space<vmem>> -> memref<1x80xi32, #tpu.memory_space<vmem>>
      %dma_wait3A_90 = tpu.memref_squeeze %dma_wait3A_89 : memref<1x80xi32, #tpu.memory_space<vmem>> -> memref<80xi32, #tpu.memory_space<vmem>>
      %dma_wait3A_91 = arith.constant 0 : i32
      %dma_wait3A_92 = arith.constant 0 : i32
      %dma_wait3A_93 = tpu.memref_slice %arg11[%dma_wait3A_91, %dma_wait3A_92] : memref<10112x128xf32, #tpu.memory_space<vmem_shared>> -> memref<10112x128xf32, #tpu.memory_space<vmem_shared>>
      tpu.wait_indirect_dma semaphore(%arg14 : memref<!tpu.dma_semaphore, #tpu.memory_space<semaphore_mem>>) src(%arg9 : memref<80x128xf32, #tpu.memory_space<vmem>>) dst(%dma_wait3A_93 : memref<10112x128xf32, #tpu.memory_space<vmem_shared>>)
      %dma_start3A_94 = arith.constant 124 : i32
      %dma_start3A_95 = arith.constant 0 : i32
      %dma_start3A_96 = tpu.memref_slice %arg8[%dma_start3A_94, %dma_start3A_95] : memref<125x80xi32, #tpu.memory_space<vmem>> -> memref<1x80xi32, #tpu.memory_space<vmem>>
      %dma_start3A_97 = tpu.memref_squeeze %dma_start3A_96 : memref<1x80xi32, #tpu.memory_space<vmem>> -> memref<80xi32, #tpu.memory_space<vmem>>
      %dma_start3A_98 = arith.constant 0 : i32
      %dma_start3A_99 = arith.constant 0 : i32
      %dma_start3A_100 = tpu.memref_slice %arg11[%dma_start3A_98, %dma_start3A_99] : memref<10112x128xf32, #tpu.memory_space<vmem_shared>> -> memref<10112x128xf32, #tpu.memory_space<vmem_shared>>
      tpu.enqueue_indirect_dma source(%arg9 : memref<80x128xf32, #tpu.memory_space<vmem>>) target(%dma_start3A_100 : memref<10112x128xf32, #tpu.memory_space<vmem_shared>>) offsets(%dma_start3A_97 : memref<80xi32, #tpu.memory_space<vmem>>) semaphore(%arg14 : memref<!tpu.dma_semaphore, #tpu.memory_space<semaphore_mem>>) {add = true}
      %dma_wait3A_101 = arith.constant 0 : i32
      %dma_wait3A_102 = arith.constant 0 : i32
      %dma_wait3A_103 = tpu.memref_slice %arg8[%dma_wait3A_101, %dma_wait3A_102] : memref<125x80xi32, #tpu.memory_space<vmem>> -> memref<1x80xi32, #tpu.memory_space<vmem>>
      %dma_wait3A_104 = tpu.memref_squeeze %dma_wait3A_103 : memref<1x80xi32, #tpu.memory_space<vmem>> -> memref<80xi32, #tpu.memory_space<vmem>>
      %dma_wait3A_105 = arith.constant 0 : i32
      %dma_wait3A_106 = arith.constant 0 : i32
      %dma_wait3A_107 = tpu.memref_slice %arg11[%dma_wait3A_105, %dma_wait3A_106] : memref<10112x128xf32, #tpu.memory_space<vmem_shared>> -> memref<10112x128xf32, #tpu.memory_space<vmem_shared>>
      tpu.wait_indirect_dma semaphore(%arg15 : memref<!tpu.dma_semaphore, #tpu.memory_space<semaphore_mem>>) src(%arg9 : memref<80x128xf32, #tpu.memory_space<vmem>>) dst(%dma_wait3A_107 : memref<10112x128xf32, #tpu.memory_space<vmem_shared>>)
      %dma_wait3A_108 = arith.constant 0 : i32
      %dma_wait3A_109 = arith.constant 0 : i32
      %dma_wait3A_110 = tpu.memref_slice %arg8[%dma_wait3A_108, %dma_wait3A_109] : memref<125x80xi32, #tpu.memory_space<vmem>> -> memref<1x80xi32, #tpu.memory_space<vmem>>
      %dma_wait3A_111 = tpu.memref_squeeze %dma_wait3A_110 : memref<1x80xi32, #tpu.memory_space<vmem>> -> memref<80xi32, #tpu.memory_space<vmem>>
      %dma_wait3A_112 = arith.constant 0 : i32
      %dma_wait3A_113 = arith.constant 0 : i32
      %dma_wait3A_114 = tpu.memref_slice %arg11[%dma_wait3A_112, %dma_wait3A_113] : memref<10112x128xf32, #tpu.memory_space<vmem_shared>> -> memref<10112x128xf32, #tpu.memory_space<vmem_shared>>
      tpu.wait_indirect_dma semaphore(%arg14 : memref<!tpu.dma_semaphore, #tpu.memory_space<semaphore_mem>>) src(%arg9 : memref<80x128xf32, #tpu.memory_space<vmem>>) dst(%dma_wait3A_114 : memref<10112x128xf32, #tpu.memory_space<vmem_shared>>)
      %barrier3A_115 = arith.constant 0 : index
      tpu.barrier barrier_id(%barrier3A_115)
      "tpu.region"() ({
        %run_scoped3A = tpu.sem_alloc : memref<!tpu.dma_semaphore, #tpu.memory_space<semaphore_mem>>
        %dma_start3A_116 = arith.constant 0 : i32
        %dma_start3A_117 = tpu.memref_slice %arg6[%mul3A_0, %dma_start3A_116] : memref<10112x128xf32, #tpu.memory_space<hbm>> -> memref<632x128xf32, #tpu.memory_space<hbm>>
        %dma_start3A_118 = arith.constant 0 : i32
        %dma_start3A_119 = tpu.memref_slice %arg11[%mul3A_0, %dma_start3A_118] : memref<10112x128xf32, #tpu.memory_space<vmem_shared>> -> memref<632x128xf32, #tpu.memory_space<vmem_shared>>
        tpu.enqueue_dma source(%dma_start3A_119 : memref<632x128xf32, #tpu.memory_space<vmem_shared>>) target(%dma_start3A_117 : memref<632x128xf32, #tpu.memory_space<hbm>>) target_semaphore(%run_scoped3A : memref<!tpu.dma_semaphore, #tpu.memory_space<semaphore_mem>>)
        %dma_wait3A_120 = arith.constant 0 : i32
        %dma_wait3A_121 = tpu.memref_slice %arg6[%mul3A_0, %dma_wait3A_120] : memref<10112x128xf32, #tpu.memory_space<hbm>> -> memref<632x128xf32, #tpu.memory_space<hbm>>
        %dma_wait3A_122 = arith.constant 0 : i32
        %dma_wait3A_123 = tpu.memref_slice %arg11[%mul3A_0, %dma_wait3A_122] : memref<10112x128xf32, #tpu.memory_space<vmem_shared>> -> memref<632x128xf32, #tpu.memory_space<vmem_shared>>
        tpu.wait_dma2 semaphore(%run_scoped3A : memref<!tpu.dma_semaphore, #tpu.memory_space<semaphore_mem>>) src(%dma_wait3A_123 : memref<632x128xf32, #tpu.memory_space<vmem_shared>>) dst(%dma_wait3A_121 : memref<632x128xf32, #tpu.memory_space<hbm>>)
        tpu.yield
      }) : () -> ()
    } else {
    }
    return
  }
}

module attributes {stable_mosaic.version = 14 : i64} {
  func.func @_combine_body(%arg0: i32, %arg1: memref<2000x128xf32, #tpu.memory_space<vmem>>, %arg2: memref<2000x1xf32, #tpu.memory_space<vmem>>, %arg3: memref<2000x128xf32, #tpu.memory_space<vmem>>) attributes {dimension_semantics = [#tpu.dimension_semantics<arbitrary>], iteration_bounds = array<i64: 5>, scalar_prefetch = 0 : i64, scratch_operands = 0 : i64, tpu.core_type = #tpu.core_type<tc>, window_params = [{transform_indices = @transform_0, window_bounds = array<i64: 2000, 128>}, {transform_indices = @transform_1, window_bounds = array<i64: 2000, 1>}, {transform_indices = @transform_2, window_bounds = array<i64: 2000, 128>}]} {
    %get3A = arith.constant 0 : index
    %get3A_0 = arith.constant 0 : index
    %get3A_1 = vector.load %arg1[%get3A, %get3A_0] : memref<2000x128xf32, #tpu.memory_space<vmem>>, vector<2000x128xf32>
    %get3A_2 = arith.constant 0 : index
    %get3A_3 = arith.constant 0 : index
    %get3A_4 = vector.load %arg2[%get3A_2, %get3A_3] : memref<2000x1xf32, #tpu.memory_space<vmem>>, vector<2000x1xf32>
    %gt3A = arith.constant 0.000000e+00 : f32
    %gt3A_5 = vector.broadcast %gt3A : f32 to vector<2000x1xf32>
    %gt3A_6 = arith.cmpf ogt, %get3A_4, %gt3A_5 : vector<2000x1xf32>
    %max3A = arith.constant 1.000000e+00 : f32
    %max3A_7 = vector.broadcast %max3A : f32 to vector<2000x1xf32>
    %max3A_8 = arith.maximumf %get3A_4, %max3A_7 : vector<2000x1xf32>
    %div3A = vector.broadcast %max3A_8 : vector<2000x1xf32> to vector<2000x128xf32>
    %div3A_9 = arith.divf %get3A_1, %div3A : vector<2000x128xf32>
    %jit3A = arith.constant 0.000000e+00 : f32
    %broadcast_in_dim3A = vector.shape_cast %gt3A_6 : vector<2000x1xi1> to vector<2000x1xi1>
    %broadcast_in_dim3A_10 = vector.broadcast %broadcast_in_dim3A : vector<2000x1xi1> to vector<2000x128xi1>
    %broadcast_in_dim3A_11 = vector.broadcast %jit3A : f32 to vector<2000x128xf32>
    %select_n3A = arith.select %broadcast_in_dim3A_10, %div3A_9, %broadcast_in_dim3A_11 : vector<2000x128xi1>, vector<2000x128xf32>
    %swap3A = arith.constant 0 : index
    %swap3A_12 = arith.constant 0 : index
    %swap3A_13 = vector.load %arg3[%swap3A, %swap3A_12] : memref<2000x128xf32, #tpu.memory_space<vmem>>, vector<2000x128xf32>
    tpu.vector_store %arg3[%swap3A, %swap3A_12], %select_n3A {strides = array<i32>} : memref<2000x128xf32, #tpu.memory_space<vmem>>, vector<2000x128xf32>,
    return
  }
  func.func @transform_0(%arg0: i32) -> (i32, i32) {
    %c0_i32 = arith.constant 0 : i32
    %c0_i32_0 = arith.constant 0 : i32
    return %arg0, %c0_i32 : i32, i32
  }
  func.func @transform_1(%arg0: i32) -> (i32, i32) {
    %c0_i32 = arith.constant 0 : i32
    %c0_i32_0 = arith.constant 0 : i32
    return %arg0, %c0_i32 : i32, i32
  }
  func.func @transform_2(%arg0: i32) -> (i32, i32) {
    %c0_i32 = arith.constant 0 : i32
    %c0_i32_0 = arith.constant 0 : i32
    return %arg0, %c0_i32 : i32, i32
  }
}

</mosaic_0001>

<sc_bundles>
// kernel: kernel.4.cloned.1.call-start
scs
__scs_entry_jumppad:
0x0: {  	(pc) =	sbr.rel $0x88, $3  }
0x1: {  	(tag) =	ssettag $0x0;
	lr =	simm.s32 $0x1  }
0x2: {  	[smem:$0x3F9E] =	sst lr;
	_ =	strace $0xD0000000  }
0x3: {  	_ = 	snop  }
0x4: {  	_ = 	snop  }
0x5: {  	_ = 	snop  }
0x6: {  	_ = 	snop  }
0x7: {  	_ = 	snop  }
__scs_overlays_trampoline_lowered:
0x8: {  	[smem:$0x3FAD] =	sst s0  }
0x9: {  	[smem:$0x3FAE] =	sst s1  }
0xa: {  	[smem:$0x3FAF] =	sst s2  }
0xb: {  	[smem:$0x3FB0] =	sst s3  }
0xc: {  	[smem:$0x3FB1] =	sst s4  }
0xd: {  	[smem:$0x3FB2] =	sst s5  }
0xe: {  	[smem:$0x3FB3] =	sst s6  }
0xf: {  	[smem:$0x3FB4] =	sst s7  }
0x10: {  	[smem:$0x3FB5] =	sst s8  }
0x11: {  	[smem:$0x3FB6] =	sst s9;
	s0 =	simm.s32 @!p0 $0x0  }
0x12: {  	s1 =	sld [smem:$0x3F9C];
	s0 =	simm.s32 @p0 $0x1  }
0x13: {  	[smem:$0x3FB7] =	sst s0;
	s0 =	simm.s32 @!p1 $0x0  }
0x14: {  	s2 =	sld [smem:$0x3F9B];
	s0 =	simm.s32 @p1 $0x1  }
0x15: {  	[smem:$0x3FB8] =	sst s0;
	s0 =	simm.s32 @!p2 $0x0  }
0x16: {  	s3 =	sld [smem:$0x3FDB];
	s0 =	simm.s32 @p2 $0x1  }
0x17: {  	s4 =	simm.s32 $0x1BF5;
	[smem:$0x3FBA] =	sst s0  }
0x18: {  	s0 =	sld [smem:$0x3F9D];
	_ =	swait.ge [sflag:s4], $0x0  }
0x19: {  	s7 =	sld [smem:$0x3F9E]  }
0x1a: {  	s8 =	sadd.s32 $0xFFFFE003, lr  }
0x1b: {  	s9 =	sadd.s32 $0xFFFFFEF7, lr;
	s5 =	simm.s32 $0xFFFFFFFF;
	p2 =	slt.u32 s8, $0xFFFFF086  }
0x1c: {  	p1 =	slt.u32 s9, $0xF7A;
	s5 =	simm.s32 @!p2 $0x0  }
0x1d: {  	s5 =	simm.s32 @p1 $0x1;
	p0 =	seq.s32 s7, s2  }
0x1e: {  	s7 =	smul.u32 @!p0 $0xF7A, s2;
	p2 =	seq.s32 @!p0 s5, $0x0  }
0x1f: {  	s9 =	smul.u32 $0xF7A, s1;
	s8 =	simm.s32 @!p0 $0x1BF5;
	p2 =	por !p2, p0  }
0x20: {  	[sflag:s8] =	ssyncset.s32 @!p0 $0xFFFFF086;
	s6 =	sadd.s32 @!p0 s3, s7;
	s7 =	simm.s32 @!p0 $0x108  }
0x21: {  	s3 =	sadd.s32 s3, s9;
	s6 =	sadd.s32 @!p0 $0x88, s6;
	s7 =	simm.s32 @p2 $0x1082  }
0x22: {  	[simem:s7], [sflag:s8] =	dma.local @!p0 [hbm:s6], $0xF7A  }
0x23: {  	s9 =	sor.u32 $0xD0000000, s2;
	s6 =	simm.s32 $0x108;
	_ =	swait.ge @!p0 [sflag:s8], $0x0  }
0x24: {  	s3 =	sadd.s32 $0x88, s3;
	s6 =	simm.s32 @!p1 $0x1082;
	[sflag:s4] =	ssyncset.s32 $0xFFFFF086  }
0x25: {  	[simem:s6], [sflag:s4] =	dma.local [hbm:s3], $0xF7A  }
0x26: {  	[smem:$0x3F9E] =	sst s1;
	(tag) =	ssettag s2;
	_ =	strace s9  }
0x27: {  	s1 =	sld [smem:$0x3FAE]  }
0x28: {  	s2 =	sld [smem:$0x3FAF]  }
0x29: {  	s4 =	sld [smem:$0x3FB1]  }
0x2a: {  	p0 =	seq.s32 s5, $0x0;
	s5 =	sld [smem:$0x3FB2]  }
0x2b: {  	s6 =	sld [smem:$0x3FB3]  }
0x2c: {  	s7 =	sld [smem:$0x3FB4]  }
0x2d: {  	s3 =	simm.s32 $0x108;
	s8 =	sld [smem:$0x3FB5]  }
0x2e: {  	s3 =	simm.s32 @!p0 $0x1082;
	s9 =	sld [smem:$0x3FB6]  }
0x2f: {  	lr =	sadd.s32 s0, s3;
	s0 =	sld [smem:$0x3FAD]  }
0x30: {  	s3 =	sld [smem:$0x3FB0]  }
0x31: {  	[smem:$0x3FB9] =	sst s10  }
0x32: {  	s10 =	sld [smem:$0x3FB7];
	_ =	sdelay $0x3  }
0x33: {  	p0 =	seq.s32 s10, $0x1;
	s10 =	sld [smem:$0x3FB9];
	_ =	sdelay $0x3  }
0x34: {  	[smem:$0x3FB9] =	sst s10  }
0x35: {  	s10 =	sld [smem:$0x3FB8];
	_ =	sdelay $0x3  }
0x36: {  	p1 =	seq.s32 s10, $0x1;
	s10 =	sld [smem:$0x3FB9];
	_ =	sdelay $0x3  }
0x37: {  	[smem:$0x3FB9] =	sst s10  }
0x38: {  	s10 =	sld [smem:$0x3FBA]  }
0x39: {  	_ = 	snop;
	(pc) =	sbr.ind lr, $3  }
0x3a: {  	_ = 	snop  }
0x3b: {  	_ = 	snop  }
0x3c: {  	p2 =	seq.s32 s10, $0x1;
	s10 =	sld [smem:$0x3FB9]  }
0x3d: {  	_ =	shalt  }
0x3e: {  	_ =	shalt  }
0x3f: {  	_ =	shalt  }
0x40: {  	_ =	shalt  }
0x41: {  	_ =	shalt  }
0x42: {  	_ =	shalt  }
0x43: {  	_ =	shalt  }
0x44: {  	_ =	shalt  }
0x45: {  	_ =	shalt  }
0x46: {  	_ =	shalt  }
0x47: {  	_ =	shalt  }
0x48: {  	_ =	shalt  }
0x49: {  	_ =	shalt  }
0x4a: {  	_ =	shalt  }
0x4b: {  	_ =	shalt  }
0x4c: {  	_ =	shalt  }
0x4d: {  	_ =	shalt  }
0x4e: {  	_ =	shalt  }
0x4f: {  	_ =	shalt  }
0x50: {  	_ =	shalt  }
0x51: {  	_ =	shalt  }
0x52: {  	_ =	shalt  }
0x53: {  	_ =	shalt  }
0x54: {  	_ =	shalt  }
0x55: {  	_ =	shalt  }
0x56: {  	_ =	shalt  }
0x57: {  	_ =	shalt  }
0x58: {  	_ =	shalt  }
0x59: {  	_ =	shalt  }
0x5a: {  	_ =	shalt  }
0x5b: {  	_ =	shalt  }
0x5c: {  	_ =	shalt  }
0x5d: {  	_ =	shalt  }
0x5e: {  	_ =	shalt  }
0x5f: {  	_ =	shalt  }
0x60: {  	_ =	shalt  }
0x61: {  	_ =	shalt  }
0x62: {  	_ =	shalt  }
0x63: {  	_ =	shalt  }
0x64: {  	_ =	shalt  }
0x65: {  	_ =	shalt  }
0x66: {  	_ =	shalt  }
0x67: {  	_ =	shalt  }
0x68: {  	_ =	shalt  }
0x69: {  	_ =	shalt  }
0x6a: {  	_ =	shalt  }
0x6b: {  	_ =	shalt  }
0x6c: {  	_ =	shalt  }
0x6d: {  	_ =	shalt  }
0x6e: {  	_ =	shalt  }
0x6f: {  	_ =	shalt  }
0x70: {  	_ =	shalt  }
0x71: {  	_ =	shalt  }
0x72: {  	_ =	shalt  }
0x73: {  	_ =	shalt  }
0x74: {  	_ =	shalt  }
0x75: {  	_ =	shalt  }
0x76: {  	_ =	shalt  }
0x77: {  	_ =	shalt  }
0x78: {  	_ =	shalt  }
0x79: {  	_ =	shalt  }
0x7a: {  	_ =	shalt  }
0x7b: {  	_ =	shalt  }
0x7c: {  	_ =	shalt  }
0x7d: {  	_ =	shalt  }
0x7e: {  	_ =	shalt  }
0x7f: {  	_ =	shalt  }
0x80: {  	_ =	shalt  }
0x81: {  	_ =	shalt  }
0x82: {  	_ =	shalt  }
0x83: {  	_ =	shalt  }
0x84: {  	_ =	shalt  }
0x85: {  	_ =	shalt  }
0x86: {  	_ =	shalt  }
0x87: {  	_ =	shalt  }
.Lfunc_end0:
.L_simem_size_0:
called_computation_lowered:
.L_overlay_start_0:
0x88: {  	s2 =	sld [smem:$0x3FD9]  }
0x89: {  	s3 =	sld [smem:$0x3FFE];
	_ =	sdelay $0x1  }
0x8a: {  	s1 =	srdreg.scid  }
0x8b: {  	s0 =	sand.u32 $0x1, s1  }
0x8c: {  	s17 =	sshll.u32 s0, $0xA;
	s2 =	sadd.s32 s3, s2  }
0x8d: {  	s2 =	sadd.s32 s2, s17  }
0x8e: {  	[smem:$0x3FC5] =	sst s2  }
0x8f: {  	_ = 	snop  }
0x90: {  	s2 =	sld [smem:$0x3FC9]  }
0x91: {  	s18 =	sld [smem:$0x3FC8]  }
0x92: {  	s4 =	sld [smem:$0x3FD0];
	(tm) =	ssettm $0x1  }
0x93: {  	s5 =	sld [smem:$0x3FFB];
	_ =	sdelay $0x3  }
0x94: {  	_ =	strace s5  }
0x95: {  	s5 =	sld [smem:$0x3FFC];
	_ =	sdelay $0x3  }
0x96: {  	_ =	strace s5  }
0x97: {  	s5 =	sld [smem:$0x3FFD];
	_ =	sdelay $0x3  }
0x98: {  	_ =	strace s5  }
0x99: {  	_ =	strace $0x8FFFFFFF  }
0x9a: {  	s19 =	sld [smem:$0x3FDB];
	_ =	sdelay $0x1  }
0x9b: {  	s6 =	simm.s32 $_scs_section_size  }
0x9c: {  	s7 =	simm.s32 $_size__tile_overlayer_lowered;
	s8 =	simm.s32 $_tile_overlayer_lowered  }
0x9d: {  	s22 =	simm.s32 $0x1BFF;
	s21 =	sshll.u32 s8, $0x1;
	s5 =	sadd.s32 s6, s19  }
0x9e: {  	s9 =	simm.s32 $0x0;
	s20 =	sshll.u32 s7, $0x1;
	s7 =	sadd.s32 s21, s5  }
0x9f: {  	[timem:s9], [sflag:s22] =	dma.local [hbm:s7], s20  }
0xa0: {  	_ =	swait.ge [sflag:s22], s20  }
0xa1: {  	s6 =	ssub.s32 $0x0, s20;
	[sflag:s22] =	ssyncset.done $0x0  }
0xa2: {  	[sflag:s22] =	ssyncadd.s32 s6;
	_ =	sdelay $0x1  }
0xa3: {  	s23 =	simm.s32 $0x1B8B  }
0xa4: {  	_ =	swait.ge [sflag:s23], $0x1  }
0xa5: {  	[sflag:s23] =	ssyncset.done $0x0  }
0xa6: {  	s25 =	simm.s32 $0x1B8E;
	s24 =	sld [smem:$0x3FFE];
	[sflag:s23] =	ssyncadd.s32 $0xFFFFFFFF  }
0xa7: {  	s26 =	simm.s32 $execute0_lowered;
	[smem:$0x3FD2] =	sst s25  }
0xa8: {  	s7 =	sshll.u32 s26, $0x1;
	_ =	strace $0x80000046;
	[dreg:$0x1] =	wrdreg $0xFFFFFFFF  }
0xa9: {  	s28 =	simm.s32 $_size_execute0_lowered;
	s5 =	sadd.s32 s5, s7;
	[dreg:$0x0] =	wrdreg $0x0  }
0xaa: {  	s7 =	sshll.u32 s28, $0x1;
	[dreg:$0x2] =	wrdreg s5  }
0xab: {  	[dreg:$0x3] =	wrdreg s7  }
0xac: {  	[dreg:$0x4] =	wrdreg $0xC0  }
0xad: {  	_ =	task [dreg:s9], $0x5FFFF  }
0xae: {  	[dreg:$0x1] =	wrdreg $0xFFFFFFFF  }
0xaf: {  	[dreg:$0x0] =	wrdreg $0x60  }
0xb0: {  	[dreg:$0x2] =	wrdreg s2  }
0xb1: {  	[dreg:$0x3] =	wrdreg s18  }
0xb2: {  	[dreg:$0x4] =	wrdreg s4  }
0xb3: {  	[dreg:$0x5] =	wrdreg s24  }
0xb4: {  	[dreg:$0x6] =	wrdreg $0xB7800  }
0xb5: {  	[dreg:$0x7] =	wrdreg $0x9  }
0xb6: {  	_ =	task.clear_ibuf [dreg:s9], $0x8FFFF;
	_ =	strace $0x90000046  }
0xb7: {  	s29 =	simm.s32 $0x9;
	_ =	strace $0x80000048  }
0xb8: {  	_ =	swait.ge [sflag:s29], $0x1  }
0xb9: {  	[sflag:s29] =	ssyncadd.s32 $0xFFFFFFFF  }
0xba: {  	_ =	strace $0x90000048  }
0xbb: {  	_ =	sfence  }
0xbc: {  	s30 =	sld [smem:$0x0];
	_ =	sdelay $0x2  }
0xbd: {  	s31 =	sshll.u32 s1, $0xD;
	s1 =	sshrl.u32 s1, $0x2  }
0xbe: {  	s3 =	sand.u32 $0x4000, s31;
	s1 =	sadd.s32 s1, s30  }
0xbf: {  	s0 =	sor.u32 s3, s0;
	s1 =	sshll.u32 s1, $0x11  }
0xc0: {  	s0 =	sor.u32 s1, s0  }
0xc1: {  	s0 =	sadd.s32 $0x8F2B, s0  }
0xc2: {  	[sflag:s0] =	ssyncadd.remote.s32 $0x1  }
0xc3: {  	_ =	sfence.sel $0xFFFF  }
0xc4: {  	[dreg:$0x0] =	wrdreg $0xFFFFFFFF;
	(pc) =	sbr.abs _section_cstart, $3  }
0xc5: {  	[dreg:$0x1] =	wrdreg $0xFFFFFFFF  }
0xc6: {  	_ =	task.clear_ibuf [dreg:s9], $0x2FFFF;
	_ =	strace $0x9FFFFFFF  }
0xc7: {  	(tm) =	ssettm $0x7FFFFFFF  }
tec
execute0_lowered:
.L_overlay_start_1:
0x0: {  	(tag) =	ssettag $0x1  }
0x1: {  	s1 =	rddreg [dreg:$0x0]  }
0x2: {  	s0 =	rddreg [dreg:$0x1]  }
0x3: {  	s2 =	rddreg [dreg:$0x2]  }
0x4: {  	s5 =	rddreg [dreg:$0x3]  }
0x5: {  	s3 =	rddreg [dreg:$0x4]  }
0x6: {  	s4 =	simm.s32 $0x0;
	s6 =	srdreg.scid;
	s7 =	stileid.u32  }
0x7: {  	s28 =	simm.s32 $0x4;
	s29 =	simm.s32 $0x6580;
	s30 =	simm.s32 $0x8F80  }
0x8: {  	s31 =	simm.s32 $0x1;
	[smem:$0x7FF] =	sst s4;
	s6 =	sand.u32 $0x1, s6  }
0x9: {  	s7 =	smul.u32 $0x4F000, s7;
	s9 =	sadd.s32 $0x28200, s5;
	s5 =	sadd.s32 $0xA00, s5  }
0xa: {  	_ =	strace $0x80000047;
	s8 =	ssub.s32 $0x2, s6;
	[dreg:$0x6] =	wrdreg s9  }
0xb: {  	[dreg:$0x7] =	wrdreg s5;
	s9 =	stileid.u32;
	p0 =	seq.s32 s6, $0x1  }
0xc: {  	s5 =	simm.s32 $0x2;
	s21 =	sshrl.u32 s8, $0x1;
	s24 =	smul.u32 $0x4E20, s9  }
0xd: {  	s7 =	sshrl.u32 s7, $0x2;
	s26 =	sshll.u32 s9, $0xC;
	s19 =	smul.u32 $0x2780, s9  }
0xe: {  	s22 =	ssub.s32 s8, s21;
	s7 =	sadd.s32 s7, s3;
	s15 =	sadd.s32 s2, s26  }
0xf: {  	s21 =	simm.s32 $0x6780;
	s26 =	simm.s32 $0x3;
	s23 =	sadd.s32 $0x2800, s7  }
0x10: {  	s25 =	sadd.s32 $0x5000, s7;
	s10 =	sadd.s32 $0x7800, s7;
	s11 =	sadd.s32 $0xA000, s7  }
0x11: {  	s12 =	sadd.s32 $0xC800, s7;
	s6 =	sshrl.u32 s24, $0x3;
	s13 =	sadd.s32 $0xF000, s7  }
.Ltmp0:
0x12: {  	s16 =	sadd.s32 $0x11800, s7;
	s18 =	sadd.s32 $0x800, s15;
	(pc) =	sbr.rel .LBB2_1-.Ltmp0, $4  }
0x13: {  	s20 =	smax.u32 s22, $0x1;
	s22 =	simm.s32 $0x5;
	[dreg:$0x8] =	wrdreg s23  }
0x14: {  	s24 =	simm.s32 $0x50;
	[dreg:$0x9] =	wrdreg s25;
	s0 =	sadd.s32 s0, s6  }
0x15: {  	s23 =	simm.s32 $0x2780;
	[dreg:$0xa] =	wrdreg s0;
	s0 =	sadd.s32 $0x4E2, s0  }
0x16: {  	v0 =	vimm.f32 $0.0e+00;
	v1 =	vimm.f32 $1.000000000e+00;
	s25 =	simm.s32 $0x2800;
	s6 =	simm.s32 $0x0;
	[dreg:$0xb] =	wrdreg s0  }
.LBB2_15:
0x17: {  	[spmem:s3] =	stream.indirect.scatter.add.f32 [tilespmem:s21], [sflag:$0x4], $0x80, s8, s24, $0xb8;
	[tilespmem:$0x1F380] =	vst v63  }
0x18: {  	_ =	swait.ge [sflag:s2], $0x2800  }
0x19: {  	s0 =	sshra.s32 s14, $0x2;
	[sflag:s2] =	ssyncset.done $0x0  }
0x1a: {  	s14 =	sadd.s32 $0x6580, s0;
	[sflag:s2] =	ssyncadd.s32 $0xFFFFD800  }
0x1b: {  	[spmem:s3] =	stream.indirect.scatter.add.f32 [tilespmem:s21], [sflag:$0x3], $0x80, s14, s24, $0xb8;
	[tilespmem:$0x1F380] =	vst v63  }
0x1c: {  	_ =	swait.ge [sflag:s28], $0x2800  }
0x1d: {  	[sflag:s28] =	ssyncset.done $0x0  }
0x1e: {  	s0 =	sadd.s32 $0x6600, s0;
	[sflag:s28] =	ssyncadd.s32 $0xFFFFD800  }
0x1f: {  	[spmem:s3] =	stream.indirect.scatter.add.f32 [tilespmem:s21], [sflag:$0x4], $0x80, s0, s24, $0xb8;
	[tilespmem:$0x1F380] =	vst v63  }
0x20: {  	s9 =	stileid.u32;
	s0 =	rddreg [dreg:$0x7]  }
.LBB2_16:
0x21: {  	_ =	swait.ge [sflag:s17], $0x2800  }
0x22: {  	[sflag:s17] =	ssyncset.done $0x0  }
0x23: {  	[sflag:s17] =	ssyncadd.s32 $0xFFFFD800  }
0x24: {  	[spmem:s3] =	stream.indirect.scatter.add.f32 [tilespmem:s21], [sflag:$0x3], $0x80, s29, s24, $0xb8;
	[tilespmem:$0x1F380] =	vst v63  }
0x25: {  	_ =	swait.ge [sflag:s28], $0x2800  }
0x26: {  	[sflag:s28] =	ssyncset.done $0x0  }
0x27: {  	[sflag:s28] =	ssyncadd.s32 $0xFFFFD800  }
0x28: {  	s0 =	sadd.s32 s0, s19;
	_ =	swait.ge [sflag:s26], $0x2800  }
0x29: {  	s2 =	sshll.u32 s9, $0x6;
	s6 =	sadd.s32 $0x1, s6;
	[sflag:s26] =	ssyncset.done $0x0  }
0x2a: {  	s8 =	sshrl.u32 s7, $0x3;
	p1 =	sne.s32 s6, s20;
	[sflag:s26] =	ssyncadd.s32 $0xFFFFD800  }
.Ltmp1:
0x2b: {  	s2 =	sor.u32 $0x1C05, s2;
	[bflag:$0x0] =	sbarrier.arrive $0xFFFF;
	(pc) =	sbr.rel @!p1 .LBB2_17-.Ltmp1, $4  }
0x2c: {  	[hbm:s0], [sflag:s2] =	dma.local [spmem:s8], $0x2780  }
0x2d: {  	_ =	swait.ge [sflag:s22], $0x2780  }
0x2e: {  	[sflag:s22] =	ssyncset.done $0x0  }
0x2f: {  	[sflag:s22] =	ssyncadd.s32 $0xFFFFD880  }
.LBB2_1:
.Ltmp2:
0x30: {  	(pc) =	sbr.rel @!p0 .LBB2_2-.Ltmp2, $2  }
0x31: {  	_ =	sdelay $0x2  }
0x32: {  	s0 =	sshra.s32 s4, $0x2;
	s2 =	sadd.s32 $0x200, s4  }
.LBB2_8:
0x33: {  	p1 =	sne.s32 s2, $0x9E00;
	[tilespmem:s0+$0x67F0] =	vst v0  }
0x34: {  	[tilespmem:s0+$0x6780] =	vst v0  }
0x35: {  	[tilespmem:s0+$0x6790] =	vst v0  }
.Ltmp3:
0x36: {  	[tilespmem:s0+$0x67A0] =	vst v0;
	(pc) =	sbr.rel @p1 .LBB2_8-.Ltmp3, $4  }
0x37: {  	[tilespmem:s0+$0x67B0] =	vst v0  }
0x38: {  	[tilespmem:s0+$0x67C0] =	vst v0  }
0x39: {  	[tilespmem:s0+$0x67D0] =	vst v0  }
0x3a: {  	[tilespmem:s0+$0x67E0] =	vst v0;
	s0 =	sshra.s32 s2, $0x2;
	s2 =	sadd.s32 $0x200, s2  }
0x3b: {  	[tilespmem:s0+$0x67F0] =	vst v0  }
0x3c: {  	[tilespmem:s0+$0x6780] =	vst v0  }
0x3d: {  	[tilespmem:s0+$0x6790] =	vst v0  }
0x3e: {  	[tilespmem:s0+$0x67A0] =	vst v0  }
0x3f: {  	[tilespmem:s0+$0x67B0] =	vst v0  }
0x40: {  	[tilespmem:s0+$0x67C0] =	vst v0  }
0x41: {  	[tilespmem:s0+$0x67D0] =	vst v0  }
0x42: {  	[tilespmem:s0+$0x67E0] =	vst v0  }
0x43: {  	[spmem:s7] =	stream.linear.scatter [tilespmem:s21], [sflag:$0x5], $0x2800, $0x38;
	[tilespmem:$0x1F380] =	vst v63  }
0x44: {  	_ =	swait.ge [sflag:s22], $0x2800  }
0x45: {  	[sflag:s22] =	ssyncset.done $0x0  }
0x46: {  	s14 =	rddreg [dreg:$0x8];
	[sflag:s22] =	ssyncadd.s32 $0xFFFFD800  }
0x47: {  	[spmem:s14] =	stream.linear.scatter [tilespmem:s21], [sflag:$0x5], $0x2800, $0x38;
	[tilespmem:$0x1F380] =	vst v63  }
0x48: {  	_ =	swait.ge [sflag:s22], $0x2800  }
0x49: {  	[sflag:s22] =	ssyncset.done $0x0  }
0x4a: {  	s17 =	rddreg [dreg:$0x9];
	[sflag:s22] =	ssyncadd.s32 $0xFFFFD800  }
0x4b: {  	[spmem:s17] =	stream.linear.scatter [tilespmem:s21], [sflag:$0x5], $0x2800, $0x38;
	[tilespmem:$0x1F380] =	vst v63  }
0x4c: {  	_ =	swait.ge [sflag:s22], $0x2800  }
0x4d: {  	[sflag:s22] =	ssyncset.done $0x0  }
0x4e: {  	[sflag:s22] =	ssyncadd.s32 $0xFFFFD800  }
0x4f: {  	[spmem:s10] =	stream.linear.scatter [tilespmem:s21], [sflag:$0x5], $0x2800, $0x38;
	[tilespmem:$0x1F380] =	vst v63  }
0x50: {  	_ =	swait.ge [sflag:s22], $0x2800  }
0x51: {  	[sflag:s22] =	ssyncset.done $0x0  }
0x52: {  	[sflag:s22] =	ssyncadd.s32 $0xFFFFD800  }
0x53: {  	[spmem:s11] =	stream.linear.scatter [tilespmem:s21], [sflag:$0x5], $0x2800, $0x38;
	[tilespmem:$0x1F380] =	vst v63  }
0x54: {  	_ =	swait.ge [sflag:s22], $0x2800  }
0x55: {  	[sflag:s22] =	ssyncset.done $0x0  }
0x56: {  	[sflag:s22] =	ssyncadd.s32 $0xFFFFD800  }
0x57: {  	[spmem:s12] =	stream.linear.scatter [tilespmem:s21], [sflag:$0x5], $0x2800, $0x38;
	[tilespmem:$0x1F380] =	vst v63  }
0x58: {  	_ =	swait.ge [sflag:s22], $0x2800  }
0x59: {  	[sflag:s22] =	ssyncset.done $0x0  }
0x5a: {  	[sflag:s22] =	ssyncadd.s32 $0xFFFFD800  }
0x5b: {  	[spmem:s13] =	stream.linear.scatter [tilespmem:s21], [sflag:$0x5], $0x2800, $0x38;
	[tilespmem:$0x1F380] =	vst v63  }
0x5c: {  	_ =	swait.ge [sflag:s22], $0x2800  }
0x5d: {  	[sflag:s22] =	ssyncset.done $0x0  }
0x5e: {  	[sflag:s22] =	ssyncadd.s32 $0xFFFFD800  }
0x5f: {  	[spmem:s16] =	stream.linear.scatter [tilespmem:s21], [sflag:$0x5], $0x2400, $0x38;
	[tilespmem:$0x1F380] =	vst v63  }
0x60: {  	_ =	swait.ge [sflag:s22], $0x2400  }
0x61: {  	[sflag:s22] =	ssyncset.done $0x0  }
0x62: {  	s0 =	simm.s32 $0x0;
	s2 =	simm.s32 $0x200;
	[sflag:s22] =	ssyncadd.s32 $0xFFFFDC00  }
.LBB2_10:
0x63: {  	p1 =	sne.s32 s2, $0x9E00;
	[tilespmem:s0+$0x67F0] =	vst v1  }
0x64: {  	[tilespmem:s0+$0x6780] =	vst v1  }
0x65: {  	[tilespmem:s0+$0x6790] =	vst v1  }
.Ltmp4:
0x66: {  	[tilespmem:s0+$0x67A0] =	vst v1;
	(pc) =	sbr.rel @p1 .LBB2_10-.Ltmp4, $4  }
0x67: {  	[tilespmem:s0+$0x67B0] =	vst v1  }
0x68: {  	[tilespmem:s0+$0x67C0] =	vst v1  }
0x69: {  	[tilespmem:s0+$0x67D0] =	vst v1  }
0x6a: {  	[tilespmem:s0+$0x67E0] =	vst v1;
	s0 =	sshra.s32 s2, $0x2;
	s2 =	sadd.s32 $0x200, s2  }
0x6b: {  	[tilespmem:s0+$0x67F0] =	vst v1  }
0x6c: {  	[tilespmem:s0+$0x6780] =	vst v1  }
0x6d: {  	[tilespmem:s0+$0x6790] =	vst v1  }
0x6e: {  	[tilespmem:s0+$0x67A0] =	vst v1  }
0x6f: {  	[tilespmem:s0+$0x67B0] =	vst v1  }
0x70: {  	[tilespmem:s0+$0x67C0] =	vst v1  }
0x71: {  	[tilespmem:s0+$0x67D0] =	vst v1  }
0x72: {  	[tilespmem:s0+$0x67E0] =	vst v1  }
0x73: {  	[bflag:$0x0] =	sbarrier.arrive $0xFFFF  }
0x74: {  	[tilespmem:s23], [sflag:$0x5] =	stream.linear.gather [hbm4b:s15+s4], $0x3E80, $0x38;
	[tilespmem:$0x1F380] =	vst v63  }
0x75: {  	_ =	swait.ge [sflag:s22], $0x3E80  }
0x76: {  	[sflag:s22] =	ssyncset.done $0x0  }
0x77: {  	[sflag:s22] =	ssyncadd.s32 $0xFFFFC180  }
0x78: {  	[spmem:s3] =	stream.indirect.scatter.add.f32 [tilespmem:s21], [sflag:$0x3], $0x80, s23, s24, $0xb8;
	[tilespmem:$0x1F380] =	vst v63  }
0x79: {  	_ = 	snop  }
0x7a: {  	[spmem:s3] =	stream.indirect.scatter.add.f32 [tilespmem:s21], [sflag:$0x4], $0x80, s25, s24, $0xb8;
	[tilespmem:$0x1F380] =	vst v63  }
0x7b: {  	_ =	swait.ge [sflag:s26], $0x2800  }
0x7c: {  	[sflag:s26] =	ssyncset.done $0x0  }
0x7d: {  	s17 =	simm.s32 $0x2880;
	[sflag:s26] =	ssyncadd.s32 $0xFFFFD800  }
0x7e: {  	[spmem:s3] =	stream.indirect.scatter.add.f32 [tilespmem:s21], [sflag:$0x3], $0x80, s17, s24, $0xb8;
	[tilespmem:$0x1F380] =	vst v63  }
0x7f: {  	_ =	swait.ge [sflag:s28], $0x2800  }
0x80: {  	[sflag:s28] =	ssyncset.done $0x0  }
0x81: {  	s0 =	simm.s32 $0xFFFF1000;
	s2 =	simm.s32 $0x2900;
	[sflag:s28] =	ssyncadd.s32 $0xFFFFD800  }
.LBB2_12:
0x82: {  	[spmem:s3] =	stream.indirect.scatter.add.f32 [tilespmem:s21], [sflag:$0x4], $0x80, s2, s24, $0xb8;
	[tilespmem:$0x1F380] =	vst v63  }
0x83: {  	s2 =	smov.u32 s0  }
0x84: {  	p1 =	sne.s32 s0, $0xFFFFFC00;
	s0 =	sadd.s32 $0x400, s0;
	_ =	swait.ge [sflag:s26], $0x2800  }
0x85: {  	s2 =	sshra.s32 s2, $0x2;
	[sflag:s26] =	ssyncset.done $0x0  }
.Ltmp5:
0x86: {  	s8 =	sadd.s32 $0x6580, s2;
	[sflag:s26] =	ssyncadd.s32 $0xFFFFD800;
	(pc) =	sbr.rel @p1 .LBB2_12-.Ltmp5, $4  }
0x87: {  	[spmem:s3] =	stream.indirect.scatter.add.f32 [tilespmem:s21], [sflag:$0x3], $0x80, s8, s24, $0xb8;
	[tilespmem:$0x1F380] =	vst v63  }
0x88: {  	_ =	swait.ge [sflag:s28], $0x2800  }
0x89: {  	[sflag:s28] =	ssyncset.done $0x0  }
0x8a: {  	s2 =	sadd.s32 $0x6600, s2;
	[sflag:s28] =	ssyncadd.s32 $0xFFFFD800  }
0x8b: {  	[spmem:s3] =	stream.indirect.scatter.add.f32 [tilespmem:s21], [sflag:$0x4], $0x80, s2, s24, $0xb8;
	[tilespmem:$0x1F380] =	vst v63  }
0x8c: {  	_ =	swait.ge [sflag:s26], $0x2800  }
0x8d: {  	[sflag:s26] =	ssyncset.done $0x0  }
0x8e: {  	[sflag:s26] =	ssyncadd.s32 $0xFFFFD800  }
0x8f: {  	[spmem:s3] =	stream.indirect.scatter.add.f32 [tilespmem:s21], [sflag:$0x3], $0x80, s29, s24, $0xb8;
	[tilespmem:$0x1F380] =	vst v63  }
0x90: {  	_ =	swait.ge [sflag:s28], $0x2800  }
0x91: {  	[sflag:s28] =	ssyncset.done $0x0  }
0x92: {  	[sflag:s28] =	ssyncadd.s32 $0xFFFFD800  }
0x93: {  	_ =	swait.ge [sflag:s26], $0x2800  }
0x94: {  	[sflag:s26] =	ssyncset.done $0x0  }
0x95: {  	[sflag:s26] =	ssyncadd.s32 $0xFFFFD800  }
0x96: {  	[tilespmem:s23], [sflag:$0x5] =	stream.linear.gather [hbm4b:s18+s4], $0x3E80, $0x38;
	[tilespmem:$0x1F380] =	vst v63  }
0x97: {  	_ =	swait.ge [sflag:s22], $0x3E80  }
0x98: {  	[sflag:s22] =	ssyncset.done $0x0  }
0x99: {  	[sflag:s22] =	ssyncadd.s32 $0xFFFFC180  }
0x9a: {  	[spmem:s3] =	stream.indirect.scatter.add.f32 [tilespmem:s21], [sflag:$0x3], $0x80, s23, s24, $0xb8;
	[tilespmem:$0x1F380] =	vst v63  }
0x9b: {  	s17 =	simm.s32 $0x3  }
0x9c: {  	[spmem:s3] =	stream.indirect.scatter.add.f32 [tilespmem:s21], [sflag:$0x4], $0x80, s25, s24, $0xb8;
	[tilespmem:$0x1F380] =	vst v63  }
0x9d: {  	_ =	swait.ge [sflag:s17], $0x2800  }
0x9e: {  	[sflag:s17] =	ssyncset.done $0x0  }
0x9f: {  	s0 =	simm.s32 $0x2880;
	[sflag:s17] =	ssyncadd.s32 $0xFFFFD800  }
0xa0: {  	[spmem:s3] =	stream.indirect.scatter.add.f32 [tilespmem:s21], [sflag:$0x3], $0x80, s0, s24, $0xb8;
	[tilespmem:$0x1F380] =	vst v63  }
0xa1: {  	_ =	swait.ge [sflag:s28], $0x2800  }
0xa2: {  	s14 =	simm.s32 $0xFFFF1000;
	s8 =	simm.s32 $0x2900;
	[sflag:s28] =	ssyncset.done $0x0  }
0xa3: {  	s2 =	simm.s32 $0x3;
	s0 =	simm.s32 $0xFFFF1400;
	[sflag:s28] =	ssyncadd.s32 $0xFFFFD800  }
.LBB2_14:
0xa4: {  	[spmem:s3] =	stream.indirect.scatter.add.f32 [tilespmem:s21], [sflag:$0x4], $0x80, s8, s24, $0xb8;
	[tilespmem:$0x1F380] =	vst v63  }
0xa5: {  	s8 =	smov.u32 s0  }
0xa6: {  	p1 =	sne.s32 s0, $0xFFFFFC00;
	_ =	swait.ge [sflag:s2], $0x2800  }
0xa7: {  	s0 =	sadd.s32 $0x400, s0;
	s9 =	sshra.s32 s14, $0x2;
	[sflag:s2] =	ssyncset.done $0x0  }
.Ltmp6:
0xa8: {  	[sflag:s2] =	ssyncadd.s32 $0xFFFFD800;
	s2 =	sadd.s32 $0x6580, s9;
	(pc) =	sbr.rel @p1 .LBB2_14-.Ltmp6, $4  }
0xa9: {  	[spmem:s3] =	stream.indirect.scatter.add.f32 [tilespmem:s21], [sflag:$0x3], $0x80, s2, s24, $0xb8;
	[tilespmem:$0x1F380] =	vst v63  }
0xaa: {  	s14 =	smov.u32 s8;
	s2 =	smov.u32 s17;
	_ =	swait.ge [sflag:s28], $0x2800  }
0xab: {  	[sflag:s28] =	ssyncset.done $0x0  }
0xac: {  	s8 =	sadd.s32 $0x6600, s9;
	[sflag:s28] =	ssyncadd.s32 $0xFFFFD800  }
.Ltmp7:
0xad: {  	_ = 	snop;
	(pc) =	sbr.rel .LBB2_15-.Ltmp7, $1  }
0xae: {  	_ =	sdelay $0x3  }
.LBB2_2:
0xaf: {  	p1 =	sne.s32 s2, $0x9E00;
	[tilespmem:s0+$0x67F0] =	vst v0  }
0xb0: {  	[tilespmem:s0+$0x6780] =	vst v0  }
0xb1: {  	[tilespmem:s0+$0x6790] =	vst v0  }
.Ltmp8:
0xb2: {  	[tilespmem:s0+$0x67A0] =	vst v0;
	(pc) =	sbr.rel @p1 .LBB2_2-.Ltmp8, $4  }
0xb3: {  	[tilespmem:s0+$0x67B0] =	vst v0  }
0xb4: {  	[tilespmem:s0+$0x67C0] =	vst v0  }
0xb5: {  	[tilespmem:s0+$0x67D0] =	vst v0  }
0xb6: {  	[tilespmem:s0+$0x67E0] =	vst v0;
	s0 =	sshra.s32 s2, $0x2;
	s2 =	sadd.s32 $0x200, s2  }
0xb7: {  	[tilespmem:s0+$0x67F0] =	vst v0  }
0xb8: {  	[tilespmem:s0+$0x6780] =	vst v0  }
0xb9: {  	[tilespmem:s0+$0x6790] =	vst v0  }
0xba: {  	[tilespmem:s0+$0x67A0] =	vst v0  }
0xbb: {  	[tilespmem:s0+$0x67B0] =	vst v0  }
0xbc: {  	[tilespmem:s0+$0x67C0] =	vst v0  }
0xbd: {  	[tilespmem:s0+$0x67D0] =	vst v0  }
0xbe: {  	[tilespmem:s0+$0x67E0] =	vst v0  }
0xbf: {  	[spmem:s7] =	stream.linear.scatter [tilespmem:s21], [sflag:$0x5], $0x2800, $0x38;
	[tilespmem:$0x1F380] =	vst v63  }
0xc0: {  	_ =	swait.ge [sflag:s22], $0x2800  }
0xc1: {  	[sflag:s22] =	ssyncset.done $0x0  }
0xc2: {  	s8 =	rddreg [dreg:$0x8];
	[sflag:s22] =	ssyncadd.s32 $0xFFFFD800  }
0xc3: {  	[spmem:s8] =	stream.linear.scatter [tilespmem:s21], [sflag:$0x5], $0x2800, $0x38;
	[tilespmem:$0x1F380] =	vst v63  }
0xc4: {  	_ =	swait.ge [sflag:s22], $0x2800  }
0xc5: {  	[sflag:s22] =	ssyncset.done $0x0  }
0xc6: {  	s14 =	rddreg [dreg:$0x9];
	[sflag:s22] =	ssyncadd.s32 $0xFFFFD800  }
0xc7: {  	[spmem:s14] =	stream.linear.scatter [tilespmem:s21], [sflag:$0x5], $0x2800, $0x38;
	[tilespmem:$0x1F380] =	vst v63  }
0xc8: {  	_ =	swait.ge [sflag:s22], $0x2800  }
0xc9: {  	[sflag:s22] =	ssyncset.done $0x0  }
0xca: {  	[sflag:s22] =	ssyncadd.s32 $0xFFFFD800  }
0xcb: {  	[spmem:s10] =	stream.linear.scatter [tilespmem:s21], [sflag:$0x5], $0x2800, $0x38;
	[tilespmem:$0x1F380] =	vst v63  }
0xcc: {  	_ =	swait.ge [sflag:s22], $0x2800  }
0xcd: {  	[sflag:s22] =	ssyncset.done $0x0  }
0xce: {  	[sflag:s22] =	ssyncadd.s32 $0xFFFFD800  }
0xcf: {  	[spmem:s11] =	stream.linear.scatter [tilespmem:s21], [sflag:$0x5], $0x2800, $0x38;
	[tilespmem:$0x1F380] =	vst v63  }
0xd0: {  	_ =	swait.ge [sflag:s22], $0x2800  }
0xd1: {  	[sflag:s22] =	ssyncset.done $0x0  }
0xd2: {  	[sflag:s22] =	ssyncadd.s32 $0xFFFFD800  }
0xd3: {  	[spmem:s12] =	stream.linear.scatter [tilespmem:s21], [sflag:$0x5], $0x2800, $0x38;
	[tilespmem:$0x1F380] =	vst v63  }
0xd4: {  	_ =	swait.ge [sflag:s22], $0x2800  }
0xd5: {  	[sflag:s22] =	ssyncset.done $0x0  }
0xd6: {  	[sflag:s22] =	ssyncadd.s32 $0xFFFFD800  }
0xd7: {  	[spmem:s13] =	stream.linear.scatter [tilespmem:s21], [sflag:$0x5], $0x2800, $0x38;
	[tilespmem:$0x1F380] =	vst v63  }
0xd8: {  	_ =	swait.ge [sflag:s22], $0x2800  }
0xd9: {  	[sflag:s22] =	ssyncset.done $0x0  }
0xda: {  	[sflag:s22] =	ssyncadd.s32 $0xFFFFD800  }
0xdb: {  	[spmem:s16] =	stream.linear.scatter [tilespmem:s21], [sflag:$0x5], $0x2400, $0x38;
	[tilespmem:$0x1F380] =	vst v63  }
0xdc: {  	_ =	swait.ge [sflag:s22], $0x2400  }
0xdd: {  	[sflag:s22] =	ssyncset.done $0x0  }
0xde: {  	[sflag:s22] =	ssyncadd.s32 $0xFFFFDC00  }
0xdf: {  	[bflag:$0x0] =	sbarrier.arrive $0xFFFF  }
0xe0: {  	s17 =	rddreg [dreg:$0xa]  }
0xe1: {  	[tilespmem:s4], [sflag:$0x5] =	stream.linear.gather [hbm4b:s17+s4], $0x2710, $0x38;
	[tilespmem:$0x1F380] =	vst v63  }
0xe2: {  	_ =	swait.ge [sflag:s22], $0x2710  }
0xe3: {  	[sflag:s22] =	ssyncset.done $0x0  }
0xe4: {  	[sflag:s22] =	ssyncadd.s32 $0xFFFFD8F0  }
0xe5: {  	[tilespmem:s23], [sflag:$0x5] =	stream.linear.gather [hbm4b:s15+s4], $0x3E80, $0x38;
	[tilespmem:$0x1F380] =	vst v63  }
0xe6: {  	_ =	swait.ge [sflag:s22], $0x3E80  }
0xe7: {  	[sflag:s22] =	ssyncset.done $0x0  }
0xe8: {  	[sflag:s22] =	ssyncadd.s32 $0xFFFFC180  }
0xe9: {  	[tilespmem:s21], [sflag:$0x1] =	stream.indirect.gather [hbm4b:s1+s24], $0x80, s4, s24, $0xb8;
	[tilespmem:$0x1F380] =	vst v63  }
0xea: {  	_ = 	snop  }
0xeb: {  	[tilespmem:s30], [sflag:$0x2] =	stream.indirect.gather [hbm4b:s1+s24], $0x80, s24, s24, $0xb8;
	[tilespmem:$0x1F380] =	vst v63  }
0xec: {  	_ =	swait.ge [sflag:s31], $0x2800  }
0xed: {  	[sflag:s31] =	ssyncset.done $0x0  }
0xee: {  	[sflag:s31] =	ssyncadd.s32 $0xFFFFD800  }
0xef: {  	[spmem:s3] =	stream.indirect.scatter.add.f32 [tilespmem:s21], [sflag:$0x3], $0x80, s23, s24, $0xb8;
	[tilespmem:$0x1F380] =	vst v63  }
0xf0: {  	_ =	swait.ge [sflag:s26], $0x2800  }
0xf1: {  	[sflag:s26] =	ssyncset.done $0x0  }
0xf2: {  	s2 =	simm.s32 $0xA0;
	[sflag:s26] =	ssyncadd.s32 $0xFFFFD800  }
0xf3: {  	[tilespmem:s21], [sflag:$0x1] =	stream.indirect.gather [hbm4b:s1+s24], $0x80, s2, s24, $0xb8;
	[tilespmem:$0x1F380] =	vst v63  }
0xf4: {  	_ =	swait.ge [sflag:s5], $0x2800  }
0xf5: {  	[sflag:s5] =	ssyncset.done $0x0  }
0xf6: {  	[sflag:s5] =	ssyncadd.s32 $0xFFFFD800  }
0xf7: {  	[spmem:s3] =	stream.indirect.scatter.add.f32 [tilespmem:s30], [sflag:$0x4], $0x80, s25, s24, $0xb8;
	[tilespmem:$0x1F380] =	vst v63  }
0xf8: {  	_ =	swait.ge [sflag:s28], $0x2800  }
0xf9: {  	[sflag:s28] =	ssyncset.done $0x0  }
0xfa: {  	s8 =	simm.s32 $0xF0;
	[sflag:s28] =	ssyncadd.s32 $0xFFFFD800  }
0xfb: {  	[tilespmem:s30], [sflag:$0x2] =	stream.indirect.gather [hbm4b:s1+s24], $0x80, s8, s24, $0xb8;
	[tilespmem:$0x1F380] =	vst v63  }
0xfc: {  	_ =	swait.ge [sflag:s31], $0x2800  }
0xfd: {  	[sflag:s31] =	ssyncset.done $0x0  }
0xfe: {  	s14 =	simm.s32 $0x2880;
	[sflag:s31] =	ssyncadd.s32 $0xFFFFD800  }
0xff: {  	[spmem:s3] =	stream.indirect.scatter.add.f32 [tilespmem:s21], [sflag:$0x3], $0x80, s14, s24, $0xb8;
	[tilespmem:$0x1F380] =	vst v63  }
0x100: {  	_ =	swait.ge [sflag:s26], $0x2800  }
0x101: {  	[sflag:s26] =	ssyncset.done $0x0  }
0x102: {  	s17 =	simm.s32 $0x140;
	[sflag:s26] =	ssyncadd.s32 $0xFFFFD800  }
0x103: {  	[tilespmem:s21], [sflag:$0x1] =	stream.indirect.gather [hbm4b:s1+s24], $0x80, s17, s24, $0xb8;
	[tilespmem:$0x1F380] =	vst v63  }
0x104: {  	_ =	swait.ge [sflag:s5], $0x2800  }
0x105: {  	s0 =	simm.s32 $0x190;
	[sflag:s5] =	ssyncset.done $0x0  }
0x106: {  	s2 =	simm.s32 $0x2900;
	s17 =	simm.s32 $0xFFFF1000;
	[sflag:s5] =	ssyncadd.s32 $0xFFFFD800  }
.LBB2_4:
0x107: {  	[spmem:s3] =	stream.indirect.scatter.add.f32 [tilespmem:s30], [sflag:$0x4], $0x80, s2, s24, $0xb8;
	[tilespmem:$0x1F380] =	vst v63  }
0x108: {  	s2 =	smov.u32 s17  }
0x109: {  	p1 =	sne.s32 s17, $0xFFFFFC00;
	s17 =	sadd.s32 $0x400, s17;
	_ =	swait.ge [sflag:s28], $0x2800  }
0x10a: {  	[sflag:s28] =	ssyncset.done $0x0  }
0x10b: {  	[sflag:s28] =	ssyncadd.s32 $0xFFFFD800  }
0x10c: {  	[tilespmem:s30], [sflag:$0x2] =	stream.indirect.gather [hbm4b:s1+s24], $0x80, s0, s24, $0xb8;
	[tilespmem:$0x1F380] =	vst v63  }
0x10d: {  	_ =	swait.ge [sflag:s31], $0x2800  }
0x10e: {  	s2 =	sshra.s32 s2, $0x2;
	[sflag:s31] =	ssyncset.done $0x0  }
0x10f: {  	s8 =	sadd.s32 $0x6580, s2;
	[sflag:s31] =	ssyncadd.s32 $0xFFFFD800  }
0x110: {  	[spmem:s3] =	stream.indirect.scatter.add.f32 [tilespmem:s21], [sflag:$0x3], $0x80, s8, s24, $0xb8;
	[tilespmem:$0x1F380] =	vst v63  }
0x111: {  	_ =	swait.ge [sflag:s26], $0x2800  }
0x112: {  	[sflag:s26] =	ssyncset.done $0x0  }
.Ltmp9:
0x113: {  	s8 =	sadd.s32 $0x50, s0;
	[sflag:s26] =	ssyncadd.s32 $0xFFFFD800;
	(pc) =	sbr.rel @p1 .LBB2_4-.Ltmp9, $4  }
0x114: {  	[tilespmem:s21], [sflag:$0x1] =	stream.indirect.gather [hbm4b:s1+s24], $0x80, s8, s24, $0xb8;
	[tilespmem:$0x1F380] =	vst v63  }
0x115: {  	_ =	swait.ge [sflag:s5], $0x2800  }
0x116: {  	[sflag:s5] =	ssyncset.done $0x0  }
0x117: {  	s2 =	sadd.s32 $0x6600, s2;
	s0 =	sadd.s32 $0xA0, s0;
	[sflag:s5] =	ssyncadd.s32 $0xFFFFD800  }
0x118: {  	[spmem:s3] =	stream.indirect.scatter.add.f32 [tilespmem:s30], [sflag:$0x4], $0x80, s2, s24, $0xb8;
	[tilespmem:$0x1F380] =	vst v63  }
0x119: {  	_ =	swait.ge [sflag:s31], $0x2800  }
0x11a: {  	[sflag:s31] =	ssyncset.done $0x0  }
0x11b: {  	[sflag:s31] =	ssyncadd.s32 $0xFFFFD800  }
0x11c: {  	[spmem:s3] =	stream.indirect.scatter.add.f32 [tilespmem:s21], [sflag:$0x3], $0x80, s29, s24, $0xb8;
	[tilespmem:$0x1F380] =	vst v63  }
0x11d: {  	_ =	swait.ge [sflag:s28], $0x2800  }
0x11e: {  	[sflag:s28] =	ssyncset.done $0x0  }
0x11f: {  	[sflag:s28] =	ssyncadd.s32 $0xFFFFD800  }
0x120: {  	_ =	swait.ge [sflag:s26], $0x2800  }
0x121: {  	[sflag:s26] =	ssyncset.done $0x0  }
0x122: {  	s0 =	rddreg [dreg:$0xb];
	[sflag:s26] =	ssyncadd.s32 $0xFFFFD800  }
0x123: {  	[tilespmem:s4], [sflag:$0x5] =	stream.linear.gather [hbm4b:s0+s4], $0x2710, $0x38;
	[tilespmem:$0x1F380] =	vst v63  }
0x124: {  	_ =	swait.ge [sflag:s22], $0x2710  }
0x125: {  	[sflag:s22] =	ssyncset.done $0x0  }
0x126: {  	[sflag:s22] =	ssyncadd.s32 $0xFFFFD8F0  }
0x127: {  	[tilespmem:s23], [sflag:$0x5] =	stream.linear.gather [hbm4b:s18+s4], $0x3E80, $0x38;
	[tilespmem:$0x1F380] =	vst v63  }
0x128: {  	_ =	swait.ge [sflag:s22], $0x3E80  }
0x129: {  	[sflag:s22] =	ssyncset.done $0x0  }
0x12a: {  	[sflag:s22] =	ssyncadd.s32 $0xFFFFC180  }
0x12b: {  	[tilespmem:s21], [sflag:$0x1] =	stream.indirect.gather [hbm4b:s1+s24], $0x80, s4, s24, $0xb8;
	[tilespmem:$0x1F380] =	vst v63  }
0x12c: {  	_ = 	snop  }
0x12d: {  	[tilespmem:s30], [sflag:$0x2] =	stream.indirect.gather [hbm4b:s1+s24], $0x80, s24, s24, $0xb8;
	[tilespmem:$0x1F380] =	vst v63  }
0x12e: {  	_ =	swait.ge [sflag:s31], $0x2800  }
0x12f: {  	[sflag:s31] =	ssyncset.done $0x0  }
0x130: {  	[sflag:s31] =	ssyncadd.s32 $0xFFFFD800  }
0x131: {  	[spmem:s3] =	stream.indirect.scatter.add.f32 [tilespmem:s21], [sflag:$0x3], $0x80, s23, s24, $0xb8;
	[tilespmem:$0x1F380] =	vst v63  }
0x132: {  	_ =	swait.ge [sflag:s26], $0x2800  }
0x133: {  	[sflag:s26] =	ssyncset.done $0x0  }
0x134: {  	s17 =	simm.s32 $0xA0;
	[sflag:s26] =	ssyncadd.s32 $0xFFFFD800  }
0x135: {  	[tilespmem:s21], [sflag:$0x1] =	stream.indirect.gather [hbm4b:s1+s24], $0x80, s17, s24, $0xb8;
	[tilespmem:$0x1F380] =	vst v63  }
0x136: {  	_ =	swait.ge [sflag:s5], $0x2800  }
0x137: {  	[sflag:s5] =	ssyncset.done $0x0  }
0x138: {  	[sflag:s5] =	ssyncadd.s32 $0xFFFFD800  }
0x139: {  	[spmem:s3] =	stream.indirect.scatter.add.f32 [tilespmem:s30], [sflag:$0x4], $0x80, s25, s24, $0xb8;
	[tilespmem:$0x1F380] =	vst v63  }
0x13a: {  	_ =	swait.ge [sflag:s28], $0x2800  }
0x13b: {  	[sflag:s28] =	ssyncset.done $0x0  }
0x13c: {  	s2 =	simm.s32 $0xF0;
	s17 =	simm.s32 $0x1;
	[sflag:s28] =	ssyncadd.s32 $0xFFFFD800  }
0x13d: {  	[tilespmem:s30], [sflag:$0x2] =	stream.indirect.gather [hbm4b:s1+s24], $0x80, s2, s24, $0xb8;
	[tilespmem:$0x1F380] =	vst v63  }
0x13e: {  	_ =	swait.ge [sflag:s17], $0x2800  }
0x13f: {  	[sflag:s17] =	ssyncset.done $0x0  }
0x140: {  	s8 =	simm.s32 $0x2880;
	[sflag:s17] =	ssyncadd.s32 $0xFFFFD800  }
0x141: {  	[spmem:s3] =	stream.indirect.scatter.add.f32 [tilespmem:s21], [sflag:$0x3], $0x80, s8, s24, $0xb8;
	[tilespmem:$0x1F380] =	vst v63  }
0x142: {  	_ =	swait.ge [sflag:s26], $0x2800  }
0x143: {  	[sflag:s26] =	ssyncset.done $0x0  }
0x144: {  	s14 =	simm.s32 $0x140;
	[sflag:s26] =	ssyncadd.s32 $0xFFFFD800  }
0x145: {  	[tilespmem:s21], [sflag:$0x1] =	stream.indirect.gather [hbm4b:s1+s24], $0x80, s14, s24, $0xb8;
	[tilespmem:$0x1F380] =	vst v63  }
0x146: {  	_ =	swait.ge [sflag:s5], $0x2800  }
0x147: {  	s0 =	simm.s32 $0xFFFF1000;
	[sflag:s5] =	ssyncset.done $0x0  }
0x148: {  	s2 =	simm.s32 $0x2900;
	s14 =	simm.s32 $0x190;
	[sflag:s5] =	ssyncadd.s32 $0xFFFFD800  }
.LBB2_6:
0x149: {  	[spmem:s3] =	stream.indirect.scatter.add.f32 [tilespmem:s30], [sflag:$0x4], $0x80, s2, s24, $0xb8;
	[tilespmem:$0x1F380] =	vst v63  }
0x14a: {  	s2 =	smov.u32 s0  }
0x14b: {  	p1 =	seq.s32 s0, $0xFFFFFC00;
	s0 =	sadd.s32 $0x400, s0;
	_ =	swait.ge [sflag:s28], $0x2800  }
0x14c: {  	[sflag:s28] =	ssyncset.done $0x0  }
0x14d: {  	[sflag:s28] =	ssyncadd.s32 $0xFFFFD800  }
0x14e: {  	[tilespmem:s30], [sflag:$0x2] =	stream.indirect.gather [hbm4b:s1+s24], $0x80, s14, s24, $0xb8;
	[tilespmem:$0x1F380] =	vst v63  }
0x14f: {  	_ =	swait.ge [sflag:s17], $0x2800  }
0x150: {  	s2 =	sshra.s32 s2, $0x2;
	[sflag:s17] =	ssyncset.done $0x0  }
0x151: {  	s8 =	sadd.s32 $0x6580, s2;
	[sflag:s17] =	ssyncadd.s32 $0xFFFFD800  }
0x152: {  	[spmem:s3] =	stream.indirect.scatter.add.f32 [tilespmem:s21], [sflag:$0x3], $0x80, s8, s24, $0xb8;
	[tilespmem:$0x1F380] =	vst v63  }
0x153: {  	_ =	swait.ge [sflag:s26], $0x2800  }
0x154: {  	[sflag:s26] =	ssyncset.done $0x0  }
.Ltmp10:
0x155: {  	s8 =	sadd.s32 $0x50, s14;
	[sflag:s26] =	ssyncadd.s32 $0xFFFFD800;
	(pc) =	sbr.rel @!p1 .LBB2_6-.Ltmp10, $4  }
0x156: {  	[tilespmem:s21], [sflag:$0x1] =	stream.indirect.gather [hbm4b:s1+s24], $0x80, s8, s24, $0xb8;
	[tilespmem:$0x1F380] =	vst v63  }
0x157: {  	_ =	swait.ge [sflag:s5], $0x2800  }
0x158: {  	[sflag:s5] =	ssyncset.done $0x0  }
0x159: {  	s2 =	sadd.s32 $0x6600, s2;
	s14 =	sadd.s32 $0xA0, s14;
	[sflag:s5] =	ssyncadd.s32 $0xFFFFD800  }
.Ltmp11:
0x15a: {  	(pc) =	sbr.rel .LBB2_16-.Ltmp11, $3  }
0x15b: {  	_ =	sdelay $0x1  }
0x15c: {  	[spmem:s3] =	stream.indirect.scatter.add.f32 [tilespmem:s30], [sflag:$0x4], $0x80, s2, s24, $0xb8;
	[tilespmem:$0x1F380] =	vst v63  }
0x15d: {  	s0 =	rddreg [dreg:$0x6]  }
.LBB2_17:
0x15e: {  	_ =	sfence.sel $0x180000  }
0x15f: {  	[bflag:$0x0] =	sbarrier.arrive $0xFFFF  }
0x160: {  	_ =	strace $0x90000047  }
0x161: {  	[bflag:$0x2] =	sbarrier.arrive $0xFFFF  }
0x162: {  	p0 =	sne.s32 s9, $0x0;
	s0 =	rddreg [dreg:$0x5]  }
0x163: {  	s0 =	sadd.s32 @!p0 $0x100000, s0  }
0x164: {  	[sflag:s0] =	ssyncadd.tile.s32 @!p0 $0x1;
	_ =	shalt  }
.Lfunc_end2:
_tile_overlayer_lowered:
.L_overlay_start_2:
0x165: {  	(tag) =	ssettag $0x2  }
0x166: {  	s0 =	rddreg [dreg:$0x0];
	s2 =	stileid.u32  }
0x167: {  	s1 =	rddreg [dreg:$0x1];
	p0 =	sne.s32 s2, $0x0  }
0x168: {  	s3 =	rddreg [dreg:$0x2];
	[bflag:$0x3] =	sbarrier.arrive $0xFFFF;
	s2 =	simm.s32 @!p0 $0x1C05  }
0x169: {  	[timem:s3], [sflag:s2] =	dma.local @!p0 [hbm:s0], s1  }
0x16a: {  	s0 =	simm.s32 @!p0 $0x5  }
0x16b: {  	_ =	swait.ge @!p0 [sflag:s0], s1  }
0x16c: {  	s1 =	ssub.s32 @!p0 $0x0, s1;
	[sflag:s0] =	ssyncset.done @!p0 $0x0  }
0x16d: {  	[sflag:s0] =	ssyncadd.s32 @!p0 s1  }
0x16e: {  	[bflag:$0x3] =	sbarrier.arrive $0xFFFF  }
0x16f: {  	_ =	shalt  }

</sc_bundles>
